<compile_context>
chip_gen: v7x
topology: tpu7x:2x2x1
jax: 0.10.2.dev20260603
libtpu: 0.0.44.dev20260713+nightly
codegen_flags: <defaults>
</compile_context>

<pallas_src>
import functools

import jax
import jax.numpy as jnp
from jax import lax
from jax.experimental import pallas as pl
from jax.experimental.pallas import tpu as pltpu
from jax.experimental.pallas import tpu_sc as plsc


def _sc_gather_fn(n_cls, seq, d, n_workers, nc, n_ctx, chunk):
    n_rows = n_cls * seq
    head = n_cls
    ctx_lo = n_ctx * n_cls
    tail0 = head + ctx_lo
    tail = n_rows - tail0
    tail_w = tail // n_workers
    head_w = head // n_workers
    fill_w = ctx_lo // n_workers
    n_chunks = tail_w // chunk
    rem = tail_w - n_chunks * chunk
    assert tail_w * n_workers == tail and head_w * n_workers == head
    assert fill_w * n_workers == ctx_lo and fill_w % 8 == 0
    assert n_cls % fill_w == 0
    assert chunk % 8 == 0 and head_w % 8 == 0 and tail_w % 8 == 0
    assert rem % 8 == 0 and rem + head_w <= chunk and fill_w <= chunk

    mesh = plsc.VectorSubcoreMesh(core_axis_name="c", subcore_axis_name="s")

    @functools.partial(
        pl.kernel,
        out_type=jax.ShapeDtypeStruct((n_rows, d), jnp.float32),
        mesh=mesh,
        scratch_types=[
            pltpu.VMEM((tail_w + head_w,), jnp.int32),
            pltpu.VMEM((2, chunk, d), jnp.float32),
            pltpu.VMEM((n_ctx, d), jnp.float32),
            pltpu.SemaphoreType.DMA,
            pltpu.SemaphoreType.DMA,
            pltpu.SemaphoreType.DMA,
            pltpu.SemaphoreType.DMA,
        ],
    )
    def k(table_hbm, idx_hbm, ctx_hbm, out_hbm, idx_v, rows_v, ctx_v,
          gsem0, gsem1, wsem0, wsem1):
        gsem = (gsem0, gsem1)
        wsem = (wsem0, wsem1)
        wid = lax.axis_index("s") * nc + lax.axis_index("c")
        tbase = tail0 + wid * tail_w

        pltpu.sync_copy(idx_hbm.at[pl.ds(tbase, tail_w)],
                        idx_v.at[pl.ds(0, tail_w)])

        def start_gather(g, b):
            pltpu.async_copy(
                table_hbm.at[idx_v.at[pl.ds(g * chunk, chunk)]],
                rows_v.at[b], gsem[b])

        def wait_gather(b):
            pltpu.make_async_copy(
                table_hbm.at[idx_v.at[pl.ds(0, chunk)]],
                rows_v.at[b], gsem[b]).wait()

        def start_write(g, b):
            pltpu.async_copy(
                rows_v.at[b], out_hbm.at[pl.ds(tbase + g * chunk, chunk)],
                wsem[b])

        def wait_write(b):
            pltpu.make_async_copy(
                rows_v.at[b], out_hbm.at[pl.ds(0, chunk)], wsem[b]).wait()

        start_gather(0, 0)
        start_gather(1, 1)

        def pair_body(j, carry):
            for b in range(2):
                g = 2 * j + b

                @pl.when(g < n_chunks)
                def _(g=g, b=b):
                    wait_gather(b)
                    start_write(g, b)

                    @pl.when(g + 2 < n_chunks)
                    def _():
                        wait_write(b)
                        start_gather(g + 2, b)
            return carry

        lax.fori_loop(0, (n_chunks + 1) // 2, pair_body, 0)
        wait_write(0)
        wait_write(1)

        pltpu.sync_copy(idx_hbm.at[pl.ds(wid * head_w, head_w)],
                        idx_v.at[pl.ds(tail_w, head_w)])
        pltpu.sync_copy(ctx_hbm, ctx_v)
        pltpu.async_copy(
            table_hbm.at[idx_v.at[pl.ds(n_chunks * chunk, rem + head_w)]],
            rows_v.at[1].at[pl.ds(0, rem + head_w)], gsem1)

        sel = lax.div(wid * fill_w, n_cls)

        def fill_row(i, carry):
            for j in range(d // 16):
                rows_v[0, i, pl.ds(16 * j, 16)] = ctx_v[sel, pl.ds(16 * j, 16)]
            return carry

        lax.fori_loop(0, fill_w, fill_row, 0)
        pltpu.async_copy(
            rows_v.at[0].at[pl.ds(0, fill_w)],
            out_hbm.at[pl.ds(head + wid * fill_w, fill_w)], wsem0)

        pltpu.make_async_copy(
            table_hbm.at[idx_v.at[pl.ds(0, rem + head_w)]],
            rows_v.at[1].at[pl.ds(0, rem + head_w)], gsem1).wait()
        if rem:
            pltpu.async_copy(
                rows_v.at[1].at[pl.ds(0, rem)],
                out_hbm.at[pl.ds(tbase + n_chunks * chunk, rem)], wsem1)
        pltpu.async_copy(
            rows_v.at[1].at[pl.ds(rem, head_w)],
            out_hbm.at[pl.ds(wid * head_w, head_w)], wsem1)

        pltpu.make_async_copy(
            rows_v.at[0].at[pl.ds(0, fill_w)],
            out_hbm.at[pl.ds(0, fill_w)], wsem0).wait()
        if rem:
            pltpu.make_async_copy(
                rows_v.at[1].at[pl.ds(0, rem)],
                out_hbm.at[pl.ds(0, rem)], wsem1).wait()
        pltpu.make_async_copy(
            rows_v.at[1].at[pl.ds(0, head_w)],
            out_hbm.at[pl.ds(0, head_w)], wsem1).wait()

    return k


def _mm_body(c_ref, w_ref, b_ref, c0_ref, w0_ref, b0_ref, c1_ref, w1_ref,
             b1_ref, o_ref, o0_ref, o1_ref):
    o_ref[...] = jnp.dot(c_ref[...], w_ref[...],
                         preferred_element_type=jnp.float32) + b_ref[...]
    o0_ref[...] = jnp.dot(c0_ref[...], w0_ref[...],
                          preferred_element_type=jnp.float32) + b0_ref[...]
    o1_ref[...] = jnp.dot(c1_ref[...], w1_ref[...],
                          preferred_element_type=jnp.float32) + b1_ref[...]


def kernel(tokenized_prompts, token_embedding, ctx, proj_W, proj_b, cp0, cp1,
           pw0, pb0, pw1, pb1):
    n_cls, seq = tokenized_prompts.shape
    vocab, d = token_embedding.shape
    pd = proj_W.shape[1]
    n_ctx = ctx.shape[0]

    info = plsc.get_sparse_core_info()
    nc, ns = info.num_cores, info.num_subcores
    nw = nc * ns

    idx_t = tokenized_prompts.T.reshape(seq * n_cls)
    flat = _sc_gather_fn(n_cls, seq, d, nw, nc, n_ctx, 112)(
        token_embedding, idx_t, ctx)
    prompts = flat.reshape(seq, n_cls, d).transpose(1, 0, 2)

    out_sds = jax.ShapeDtypeStruct((n_ctx, pd), jnp.float32)
    proj_ctx, vd0, vd1 = pl.pallas_call(
        _mm_body,
        out_shape=[out_sds, out_sds, out_sds],
    )(ctx, proj_W, proj_b.reshape(1, pd), cp0, pw0, pb0.reshape(1, pd),
      cp1, pw1, pb1.reshape(1, pd))

    return (prompts, tokenized_prompts, proj_ctx, cp0, cp1, vd0, vd1)

# --- scband reference (transcript-rebuilt; emitter-appended) ---
"""Pipeline reference for scband-cap-multi-modal-prompt-learner-63324997812340 (READ-ONLY COPY).

The authoritative reference and input builder live on the scoring server;
editing this copy changes nothing except your own understanding.
"""

import jax, jax.numpy as jnp
import numpy as np

N_CTX = 2

def setup_inputs(seed: int = 0) -> dict:
    key = jax.random.key(seed)
    ks = jax.random.split(key, 11)
    n_cls, seq, vocab, d, pd = 1024, 77, 49408, 512, 768
    return {
        "tokenized_prompts": jax.random.randint(ks[0], (n_cls, seq), 0, vocab, dtype=jnp.int32),
        "token_embedding": jax.random.normal(ks[1], (vocab, d), dtype=jnp.float32) * 0.02,
        "ctx": jax.random.normal(ks[2], (N_CTX, d), dtype=jnp.float32) * 0.02,
        "proj_W": jax.random.normal(ks[3], (d, pd), dtype=jnp.float32) * 0.02,
        "proj_b": jnp.zeros((pd,), dtype=jnp.float32),
        "cp0": jax.random.normal(ks[4], (N_CTX, d), dtype=jnp.float32) * 0.02,
        "cp1": jax.random.normal(ks[5], (N_CTX, d), dtype=jnp.float32) * 0.02,
        "pw0": jax.random.normal(ks[6], (d, pd), dtype=jnp.float32) * 0.02,
        "pb0": jnp.zeros((pd,), dtype=jnp.float32),
        "pw1": jax.random.normal(ks[7], (d, pd), dtype=jnp.float32) * 0.02,
        "pb1": jnp.zeros((pd,), dtype=jnp.float32),
    }

def reference(tokenized_prompts, token_embedding, ctx, proj_W, proj_b, cp0, cp1, pw0, pb0, pw1, pb1):
    # embedding lookup: clip_model.token_embedding(tokenized_prompts)
    embedding = jnp.take(token_embedding, tokenized_prompts, axis=0)  # [n_cls, 77, 512]
    prefix = embedding[:, :1, :]            # SOS token embedding
    suffix = embedding[:, 1 + N_CTX:, :]    # caption + EOS embeddings
    n_cls = tokenized_prompts.shape[0]
    ctx_e = jnp.broadcast_to(ctx[None, :, :], (n_cls, N_CTX, ctx.shape[1]))
    # construct_prompts: cat([prefix, ctx, suffix], dim=1)
    prompts = jnp.concatenate([prefix, ctx_e, suffix], axis=1)  # [n_cls, 77, 512]
    # self.proj(self.ctx)
    proj_ctx = ctx @ proj_W + proj_b
    # compound prompt projections (visual deep prompts)
    vd0 = cp0 @ pw0 + pb0
    vd1 = cp1 @ pw1 + pb1
    return (prompts, tokenized_prompts, proj_ctx, cp0, cp1, vd0, vd1)

if __name__ == "__main__":
    import jax
    _d = setup_inputs()
    print(jax.jit(kernel)(*tuple(_d.values())))

</pallas_src>

<mosaic_0001>
#map = affine_map<(d0, d1) -> (0, 0)>
#map1 = affine_map<(d0, d1) -> (0)>
module attributes {stable_mosaic.version = 14 : i64} {
  func.func @k(%arg0: i32, %arg1: i32, %arg2: memref<49408x512xf32, #tpu.memory_space<hbm>>, %arg3: memref<78848xi32, #tpu.memory_space<hbm>>, %arg4: memref<2x512xf32, #tpu.memory_space<hbm>>, %arg5: memref<78848x512xf32, #tpu.memory_space<hbm>>, %arg6: memref<2400xi32, #tpu.memory_space<vmem>>, %arg7: memref<2x112x512xf32, #tpu.memory_space<vmem>>, %arg8: memref<2x512xf32, #tpu.memory_space<vmem>>, %arg9: memref<!tpu.dma_semaphore, #tpu.memory_space<semaphore_mem>>, %arg10: memref<!tpu.dma_semaphore, #tpu.memory_space<semaphore_mem>>, %arg11: memref<!tpu.dma_semaphore, #tpu.memory_space<semaphore_mem>>, %arg12: memref<!tpu.dma_semaphore, #tpu.memory_space<semaphore_mem>>) attributes {dimension_semantics = [#tpu.dimension_semantics<core_parallel>, #tpu.dimension_semantics<subcore_parallel>], iteration_bounds = array<i64: 2, 16>, scalar_prefetch = 0 : i64, scratch_operands = 7 : i64, tpu.core_type = #tpu.core_type<sc_vector_subcore>, window_params = [{transform_indices = #map}, {transform_indices = #map1}, {transform_indices = #map}, {transform_indices = #map}]} {
    %mul3A = arith.constant 2 : i32
    %mul3A_0 = arith.muli %arg1, %mul3A : i32
    %add3A = arith.addi %mul3A_0, %arg0 : i32
    %mul3A_1 = arith.constant 2368 : i32
    %mul3A_2 = arith.muli %add3A, %mul3A_1 : i32
    %add3A_3 = arith.constant 3072 : i32
    %add3A_4 = arith.addi %add3A_3, %mul3A_2 : i32
    "tpu.region"() ({
      %run_scoped3A = tpu.sem_alloc : memref<!tpu.dma_semaphore, #tpu.memory_space<semaphore_mem>>
      %dma_start3A_223 = arith.constant 0 : i32
      %dma_start3A_224 = tpu.memref_slice %arg6[%dma_start3A_223] : memref<2400xi32, #tpu.memory_space<vmem>> -> memref<2368xi32, #tpu.memory_space<vmem>>
      %dma_start3A_225 = tpu.memref_slice %arg3[%add3A_4] : memref<78848xi32, #tpu.memory_space<hbm>> -> memref<2368xi32, #tpu.memory_space<hbm>>
      %dma_start3A_226 = arith.constant 0 : i32
      %dma_start3A_227 = tpu.memref_slice %arg6[%dma_start3A_226] : memref<2400xi32, #tpu.memory_space<vmem>> -> memref<2368xi32, #tpu.memory_space<vmem>>
      %dma_start3A_228 = tpu.memref_slice %arg3[%add3A_4] : memref<78848xi32, #tpu.memory_space<hbm>> -> memref<2368xi32, #tpu.memory_space<hbm>>
      tpu.enqueue_dma source(%dma_start3A_228 : memref<2368xi32, #tpu.memory_space<hbm>>) target(%dma_start3A_227 : memref<2368xi32, #tpu.memory_space<vmem>>) target_semaphore(%run_scoped3A : memref<!tpu.dma_semaphore, #tpu.memory_space<semaphore_mem>>)
      %dma_wait3A_229 = arith.constant 0 : i32
      %dma_wait3A_230 = tpu.memref_slice %arg6[%dma_wait3A_229] : memref<2400xi32, #tpu.memory_space<vmem>> -> memref<2368xi32, #tpu.memory_space<vmem>>
      %dma_wait3A_231 = tpu.memref_slice %arg3[%add3A_4] : memref<78848xi32, #tpu.memory_space<hbm>> -> memref<2368xi32, #tpu.memory_space<hbm>>
      %dma_wait3A_232 = arith.constant 0 : i32
      %dma_wait3A_233 = tpu.memref_slice %arg6[%dma_wait3A_232] : memref<2400xi32, #tpu.memory_space<vmem>> -> memref<2368xi32, #tpu.memory_space<vmem>>
      %dma_wait3A_234 = tpu.memref_slice %arg3[%add3A_4] : memref<78848xi32, #tpu.memory_space<hbm>> -> memref<2368xi32, #tpu.memory_space<hbm>>
      tpu.wait_dma2 semaphore(%run_scoped3A : memref<!tpu.dma_semaphore, #tpu.memory_space<semaphore_mem>>) src(%dma_wait3A_234 : memref<2368xi32, #tpu.memory_space<hbm>>) dst(%dma_wait3A_233 : memref<2368xi32, #tpu.memory_space<vmem>>)
      tpu.yield
    }) : () -> ()
    %dma_start3A = arith.constant 0 : i32
    %dma_start3A_5 = arith.constant 0 : i32
    %dma_start3A_6 = arith.constant 0 : i32
    %dma_start3A_7 = tpu.memref_slice %arg7[%dma_start3A, %dma_start3A_5, %dma_start3A_6] : memref<2x112x512xf32, #tpu.memory_space<vmem>> -> memref<1x112x512xf32, #tpu.memory_space<vmem>>
    %dma_start3A_8 = tpu.memref_squeeze %dma_start3A_7 : memref<1x112x512xf32, #tpu.memory_space<vmem>> -> memref<112x512xf32, #tpu.memory_space<vmem>>
    %dma_start3A_9 = arith.constant 0 : i32
    %dma_start3A_10 = tpu.memref_slice %arg6[%dma_start3A_9] : memref<2400xi32, #tpu.memory_space<vmem>> -> memref<112xi32, #tpu.memory_space<vmem>>
    %dma_start3A_11 = arith.constant 0 : i32
    %dma_start3A_12 = arith.constant 0 : i32
    %dma_start3A_13 = tpu.memref_slice %arg2[%dma_start3A_11, %dma_start3A_12] : memref<49408x512xf32, #tpu.memory_space<hbm>> -> memref<49408x512xf32, #tpu.memory_space<hbm>>
    tpu.enqueue_indirect_dma source(%dma_start3A_13 : memref<49408x512xf32, #tpu.memory_space<hbm>>) target(%dma_start3A_8 : memref<112x512xf32, #tpu.memory_space<vmem>>) offsets(%dma_start3A_10 : memref<112xi32, #tpu.memory_space<vmem>>) semaphore(%arg9 : memref<!tpu.dma_semaphore, #tpu.memory_space<semaphore_mem>>)
    %dma_start3A_14 = arith.constant 1 : i32
    %dma_start3A_15 = arith.constant 0 : i32
    %dma_start3A_16 = arith.constant 0 : i32
    %dma_start3A_17 = tpu.memref_slice %arg7[%dma_start3A_14, %dma_start3A_15, %dma_start3A_16] : memref<2x112x512xf32, #tpu.memory_space<vmem>> -> memref<1x112x512xf32, #tpu.memory_space<vmem>>
    %dma_start3A_18 = tpu.memref_squeeze %dma_start3A_17 : memref<1x112x512xf32, #tpu.memory_space<vmem>> -> memref<112x512xf32, #tpu.memory_space<vmem>>
    %dma_start3A_19 = arith.constant 112 : i32
    %dma_start3A_20 = tpu.memref_slice %arg6[%dma_start3A_19] : memref<2400xi32, #tpu.memory_space<vmem>> -> memref<112xi32, #tpu.memory_space<vmem>>
    %dma_start3A_21 = arith.constant 0 : i32
    %dma_start3A_22 = arith.constant 0 : i32
    %dma_start3A_23 = tpu.memref_slice %arg2[%dma_start3A_21, %dma_start3A_22] : memref<49408x512xf32, #tpu.memory_space<hbm>> -> memref<49408x512xf32, #tpu.memory_space<hbm>>
    tpu.enqueue_indirect_dma source(%dma_start3A_23 : memref<49408x512xf32, #tpu.memory_space<hbm>>) target(%dma_start3A_18 : memref<112x512xf32, #tpu.memory_space<vmem>>) offsets(%dma_start3A_20 : memref<112xi32, #tpu.memory_space<vmem>>) semaphore(%arg10 : memref<!tpu.dma_semaphore, #tpu.memory_space<semaphore_mem>>)
    %scan3A = arith.constant 0 : i32
    %scan3A_24 = arith.constant 0 : i32
    %scan3A_25 = arith.constant 11 : i32
    %scan3A_26 = arith.addi %scan3A_24, %scan3A_25 : i32
    %scan3A_27 = arith.constant 1 : i32
    scf.for %scan3A_223 = %scan3A_24 to %scan3A_26 step %scan3A_27  : i32 {
      %mul3A_224 = arith.constant 2 : i32
      %mul3A_225 = arith.muli %mul3A_224, %scan3A_223 : i32
      %add3A_226 = arith.constant 0 : i32
      %add3A_227 = arith.addi %mul3A_225, %add3A_226 : i32
      %lt3A = arith.constant 21 : i32
      %lt3A_228 = arith.cmpi slt, %add3A_227, %lt3A : i32
      %convert_element_type3A = arith.extui %lt3A_228 : i1 to i32
      %cond3A = arith.constant 0 : i32
      %cond3A_229 = arith.cmpi ne, %convert_element_type3A, %cond3A : i32
      scf.if %cond3A_229 {
        %dma_wait3A_239 = arith.constant 0 : i32
        %dma_wait3A_240 = arith.constant 0 : i32
        %dma_wait3A_241 = arith.constant 0 : i32
        %dma_wait3A_242 = tpu.memref_slice %arg7[%dma_wait3A_239, %dma_wait3A_240, %dma_wait3A_241] : memref<2x112x512xf32, #tpu.memory_space<vmem>> -> memref<1x112x512xf32, #tpu.memory_space<vmem>>
        %dma_wait3A_243 = tpu.memref_squeeze %dma_wait3A_242 : memref<1x112x512xf32, #tpu.memory_space<vmem>> -> memref<112x512xf32, #tpu.memory_space<vmem>>
        %dma_wait3A_244 = arith.constant 0 : i32
        %dma_wait3A_245 = tpu.memref_slice %arg6[%dma_wait3A_244] : memref<2400xi32, #tpu.memory_space<vmem>> -> memref<112xi32, #tpu.memory_space<vmem>>
        %dma_wait3A_246 = arith.constant 0 : i32
        %dma_wait3A_247 = arith.constant 0 : i32
        %dma_wait3A_248 = tpu.memref_slice %arg2[%dma_wait3A_246, %dma_wait3A_247] : memref<49408x512xf32, #tpu.memory_space<hbm>> -> memref<49408x512xf32, #tpu.memory_space<hbm>>
        tpu.wait_indirect_dma semaphore(%arg9 : memref<!tpu.dma_semaphore, #tpu.memory_space<semaphore_mem>>) src(%dma_wait3A_248 : memref<49408x512xf32, #tpu.memory_space<hbm>>) dst(%dma_wait3A_243 : memref<112x512xf32, #tpu.memory_space<vmem>>)
        %mul3A_249 = arith.constant 112 : i32
        %mul3A_250 = arith.muli %add3A_227, %mul3A_249 : i32
        %add3A_251 = arith.addi %add3A_4, %mul3A_250 : i32
        %dma_start3A_252 = arith.constant 0 : i32
        %dma_start3A_253 = arith.constant 0 : i32
        %dma_start3A_254 = arith.constant 0 : i32
        %dma_start3A_255 = tpu.memref_slice %arg7[%dma_start3A_252, %dma_start3A_253, %dma_start3A_254] : memref<2x112x512xf32, #tpu.memory_space<vmem>> -> memref<1x112x512xf32, #tpu.memory_space<vmem>>
        %dma_start3A_256 = tpu.memref_squeeze %dma_start3A_255 : memref<1x112x512xf32, #tpu.memory_space<vmem>> -> memref<112x512xf32, #tpu.memory_space<vmem>>
        %dma_start3A_257 = arith.constant 0 : i32
        %dma_start3A_258 = tpu.memref_slice %arg5[%add3A_251, %dma_start3A_257] : memref<78848x512xf32, #tpu.memory_space<hbm>> -> memref<112x512xf32, #tpu.memory_space<hbm>>
        %dma_start3A_259 = arith.constant 0 : i32
        %dma_start3A_260 = tpu.memref_slice %arg5[%add3A_251, %dma_start3A_259] : memref<78848x512xf32, #tpu.memory_space<hbm>> -> memref<112x512xf32, #tpu.memory_space<hbm>>
        %dma_start3A_261 = arith.constant 0 : i32
        %dma_start3A_262 = arith.constant 0 : i32
        %dma_start3A_263 = tpu.memref_slice %arg7[%dma_start3A_252, %dma_start3A_261, %dma_start3A_262] : memref<2x112x512xf32, #tpu.memory_space<vmem>> -> memref<1x112x512xf32, #tpu.memory_space<vmem>>
        %dma_start3A_264 = tpu.memref_squeeze %dma_start3A_263 : memref<1x112x512xf32, #tpu.memory_space<vmem>> -> memref<112x512xf32, #tpu.memory_space<vmem>>
        tpu.enqueue_dma source(%dma_start3A_264 : memref<112x512xf32, #tpu.memory_space<vmem>>) target(%dma_start3A_260 : memref<112x512xf32, #tpu.memory_space<hbm>>) target_semaphore(%arg11 : memref<!tpu.dma_semaphore, #tpu.memory_space<semaphore_mem>>)
        %add3A_265 = arith.constant 2 : i32
        %add3A_266 = arith.addi %add3A_227, %add3A_265 : i32
        %lt3A_267 = arith.constant 21 : i32
        %lt3A_268 = arith.cmpi slt, %add3A_266, %lt3A_267 : i32
        %convert_element_type3A_269 = arith.extui %lt3A_268 : i1 to i32
        %cond3A_270 = arith.constant 0 : i32
        %cond3A_271 = arith.cmpi ne, %convert_element_type3A_269, %cond3A_270 : i32
        scf.if %cond3A_271 {
          %dma_wait3A_272 = arith.constant 0 : i32
          %dma_wait3A_273 = arith.constant 0 : i32
          %dma_wait3A_274 = arith.constant 0 : i32
          %dma_wait3A_275 = tpu.memref_slice %arg7[%dma_wait3A_272, %dma_wait3A_273, %dma_wait3A_274] : memref<2x112x512xf32, #tpu.memory_space<vmem>> -> memref<1x112x512xf32, #tpu.memory_space<vmem>>
          %dma_wait3A_276 = tpu.memref_squeeze %dma_wait3A_275 : memref<1x112x512xf32, #tpu.memory_space<vmem>> -> memref<112x512xf32, #tpu.memory_space<vmem>>
          %dma_wait3A_277 = arith.constant 0 : i32
          %dma_wait3A_278 = arith.constant 0 : i32
          %dma_wait3A_279 = tpu.memref_slice %arg5[%dma_wait3A_277, %dma_wait3A_278] : memref<78848x512xf32, #tpu.memory_space<hbm>> -> memref<112x512xf32, #tpu.memory_space<hbm>>
          %dma_wait3A_280 = arith.constant 0 : i32
          %dma_wait3A_281 = arith.constant 0 : i32
          %dma_wait3A_282 = tpu.memref_slice %arg5[%dma_wait3A_280, %dma_wait3A_281] : memref<78848x512xf32, #tpu.memory_space<hbm>> -> memref<112x512xf32, #tpu.memory_space<hbm>>
          %dma_wait3A_283 = arith.constant 0 : i32
          %dma_wait3A_284 = arith.constant 0 : i32
          %dma_wait3A_285 = tpu.memref_slice %arg7[%dma_wait3A_272, %dma_wait3A_283, %dma_wait3A_284] : memref<2x112x512xf32, #tpu.memory_space<vmem>> -> memref<1x112x512xf32, #tpu.memory_space<vmem>>
          %dma_wait3A_286 = tpu.memref_squeeze %dma_wait3A_285 : memref<1x112x512xf32, #tpu.memory_space<vmem>> -> memref<112x512xf32, #tpu.memory_space<vmem>>
          tpu.wait_dma2 semaphore(%arg11 : memref<!tpu.dma_semaphore, #tpu.memory_space<semaphore_mem>>) src(%dma_wait3A_286 : memref<112x512xf32, #tpu.memory_space<vmem>>) dst(%dma_wait3A_282 : memref<112x512xf32, #tpu.memory_space<hbm>>)
          %add3A_287 = arith.constant 2 : i32
          %add3A_288 = arith.addi %add3A_227, %add3A_287 : i32
          %mul3A_289 = arith.constant 112 : i32
          %mul3A_290 = arith.muli %add3A_288, %mul3A_289 : i32
          %dma_start3A_291 = arith.constant 0 : i32
          %dma_start3A_292 = arith.constant 0 : i32
          %dma_start3A_293 = arith.constant 0 : i32
          %dma_start3A_294 = tpu.memref_slice %arg7[%dma_start3A_291, %dma_start3A_292, %dma_start3A_293] : memref<2x112x512xf32, #tpu.memory_space<vmem>> -> memref<1x112x512xf32, #tpu.memory_space<vmem>>
          %dma_start3A_295 = tpu.memref_squeeze %dma_start3A_294 : memref<1x112x512xf32, #tpu.memory_space<vmem>> -> memref<112x512xf32, #tpu.memory_space<vmem>>
          %dma_start3A_296 = tpu.memref_slice %arg6[%mul3A_290] : memref<2400xi32, #tpu.memory_space<vmem>> -> memref<112xi32, #tpu.memory_space<vmem>>
          %dma_start3A_297 = arith.constant 0 : i32
          %dma_start3A_298 = arith.constant 0 : i32
          %dma_start3A_299 = tpu.memref_slice %arg2[%dma_start3A_297, %dma_start3A_298] : memref<49408x512xf32, #tpu.memory_space<hbm>> -> memref<49408x512xf32, #tpu.memory_space<hbm>>
          tpu.enqueue_indirect_dma source(%dma_start3A_299 : memref<49408x512xf32, #tpu.memory_space<hbm>>) target(%dma_start3A_295 : memref<112x512xf32, #tpu.memory_space<vmem>>) offsets(%dma_start3A_296 : memref<112xi32, #tpu.memory_space<vmem>>) semaphore(%arg9 : memref<!tpu.dma_semaphore, #tpu.memory_space<semaphore_mem>>)
        } else {
        }
      } else {
      }
      %mul3A_230 = arith.constant 2 : i32
      %mul3A_231 = arith.muli %mul3A_230, %scan3A_223 : i32
      %add3A_232 = arith.constant 1 : i32
      %add3A_233 = arith.addi %mul3A_231, %add3A_232 : i32
      %lt3A_234 = arith.constant 21 : i32
      %lt3A_235 = arith.cmpi slt, %add3A_233, %lt3A_234 : i32
      %convert_element_type3A_236 = arith.extui %lt3A_235 : i1 to i32
      %cond3A_237 = arith.constant 0 : i32
      %cond3A_238 = arith.cmpi ne, %convert_element_type3A_236, %cond3A_237 : i32
      scf.if %cond3A_238 {
        %dma_wait3A_239 = arith.constant 1 : i32
        %dma_wait3A_240 = arith.constant 0 : i32
        %dma_wait3A_241 = arith.constant 0 : i32
        %dma_wait3A_242 = tpu.memref_slice %arg7[%dma_wait3A_239, %dma_wait3A_240, %dma_wait3A_241] : memref<2x112x512xf32, #tpu.memory_space<vmem>> -> memref<1x112x512xf32, #tpu.memory_space<vmem>>
        %dma_wait3A_243 = tpu.memref_squeeze %dma_wait3A_242 : memref<1x112x512xf32, #tpu.memory_space<vmem>> -> memref<112x512xf32, #tpu.memory_space<vmem>>
        %dma_wait3A_244 = arith.constant 0 : i32
        %dma_wait3A_245 = tpu.memref_slice %arg6[%dma_wait3A_244] : memref<2400xi32, #tpu.memory_space<vmem>> -> memref<112xi32, #tpu.memory_space<vmem>>
        %dma_wait3A_246 = arith.constant 0 : i32
        %dma_wait3A_247 = arith.constant 0 : i32
        %dma_wait3A_248 = tpu.memref_slice %arg2[%dma_wait3A_246, %dma_wait3A_247] : memref<49408x512xf32, #tpu.memory_space<hbm>> -> memref<49408x512xf32, #tpu.memory_space<hbm>>
        tpu.wait_indirect_dma semaphore(%arg10 : memref<!tpu.dma_semaphore, #tpu.memory_space<semaphore_mem>>) src(%dma_wait3A_248 : memref<49408x512xf32, #tpu.memory_space<hbm>>) dst(%dma_wait3A_243 : memref<112x512xf32, #tpu.memory_space<vmem>>)
        %mul3A_249 = arith.constant 112 : i32
        %mul3A_250 = arith.muli %add3A_233, %mul3A_249 : i32
        %add3A_251 = arith.addi %add3A_4, %mul3A_250 : i32
        %dma_start3A_252 = arith.constant 1 : i32
        %dma_start3A_253 = arith.constant 0 : i32
        %dma_start3A_254 = arith.constant 0 : i32
        %dma_start3A_255 = tpu.memref_slice %arg7[%dma_start3A_252, %dma_start3A_253, %dma_start3A_254] : memref<2x112x512xf32, #tpu.memory_space<vmem>> -> memref<1x112x512xf32, #tpu.memory_space<vmem>>
        %dma_start3A_256 = tpu.memref_squeeze %dma_start3A_255 : memref<1x112x512xf32, #tpu.memory_space<vmem>> -> memref<112x512xf32, #tpu.memory_space<vmem>>
        %dma_start3A_257 = arith.constant 0 : i32
        %dma_start3A_258 = tpu.memref_slice %arg5[%add3A_251, %dma_start3A_257] : memref<78848x512xf32, #tpu.memory_space<hbm>> -> memref<112x512xf32, #tpu.memory_space<hbm>>
        %dma_start3A_259 = arith.constant 0 : i32
        %dma_start3A_260 = tpu.memref_slice %arg5[%add3A_251, %dma_start3A_259] : memref<78848x512xf32, #tpu.memory_space<hbm>> -> memref<112x512xf32, #tpu.memory_space<hbm>>
        %dma_start3A_261 = arith.constant 0 : i32
        %dma_start3A_262 = arith.constant 0 : i32
        %dma_start3A_263 = tpu.memref_slice %arg7[%dma_start3A_252, %dma_start3A_261, %dma_start3A_262] : memref<2x112x512xf32, #tpu.memory_space<vmem>> -> memref<1x112x512xf32, #tpu.memory_space<vmem>>
        %dma_start3A_264 = tpu.memref_squeeze %dma_start3A_263 : memref<1x112x512xf32, #tpu.memory_space<vmem>> -> memref<112x512xf32, #tpu.memory_space<vmem>>
        tpu.enqueue_dma source(%dma_start3A_264 : memref<112x512xf32, #tpu.memory_space<vmem>>) target(%dma_start3A_260 : memref<112x512xf32, #tpu.memory_space<hbm>>) target_semaphore(%arg12 : memref<!tpu.dma_semaphore, #tpu.memory_space<semaphore_mem>>)
        %add3A_265 = arith.constant 2 : i32
        %add3A_266 = arith.addi %add3A_233, %add3A_265 : i32
        %lt3A_267 = arith.constant 21 : i32
        %lt3A_268 = arith.cmpi slt, %add3A_266, %lt3A_267 : i32
        %convert_element_type3A_269 = arith.extui %lt3A_268 : i1 to i32
        %cond3A_270 = arith.constant 0 : i32
        %cond3A_271 = arith.cmpi ne, %convert_element_type3A_269, %cond3A_270 : i32
        scf.if %cond3A_271 {
          %dma_wait3A_272 = arith.constant 1 : i32
          %dma_wait3A_273 = arith.constant 0 : i32
          %dma_wait3A_274 = arith.constant 0 : i32
          %dma_wait3A_275 = tpu.memref_slice %arg7[%dma_wait3A_272, %dma_wait3A_273, %dma_wait3A_274] : memref<2x112x512xf32, #tpu.memory_space<vmem>> -> memref<1x112x512xf32, #tpu.memory_space<vmem>>
          %dma_wait3A_276 = tpu.memref_squeeze %dma_wait3A_275 : memref<1x112x512xf32, #tpu.memory_space<vmem>> -> memref<112x512xf32, #tpu.memory_space<vmem>>
          %dma_wait3A_277 = arith.constant 0 : i32
          %dma_wait3A_278 = arith.constant 0 : i32
          %dma_wait3A_279 = tpu.memref_slice %arg5[%dma_wait3A_277, %dma_wait3A_278] : memref<78848x512xf32, #tpu.memory_space<hbm>> -> memref<112x512xf32, #tpu.memory_space<hbm>>
          %dma_wait3A_280 = arith.constant 0 : i32
          %dma_wait3A_281 = arith.constant 0 : i32
          %dma_wait3A_282 = tpu.memref_slice %arg5[%dma_wait3A_280, %dma_wait3A_281] : memref<78848x512xf32, #tpu.memory_space<hbm>> -> memref<112x512xf32, #tpu.memory_space<hbm>>
          %dma_wait3A_283 = arith.constant 0 : i32
          %dma_wait3A_284 = arith.constant 0 : i32
          %dma_wait3A_285 = tpu.memref_slice %arg7[%dma_wait3A_272, %dma_wait3A_283, %dma_wait3A_284] : memref<2x112x512xf32, #tpu.memory_space<vmem>> -> memref<1x112x512xf32, #tpu.memory_space<vmem>>
          %dma_wait3A_286 = tpu.memref_squeeze %dma_wait3A_285 : memref<1x112x512xf32, #tpu.memory_space<vmem>> -> memref<112x512xf32, #tpu.memory_space<vmem>>
          tpu.wait_dma2 semaphore(%arg12 : memref<!tpu.dma_semaphore, #tpu.memory_space<semaphore_mem>>) src(%dma_wait3A_286 : memref<112x512xf32, #tpu.memory_space<vmem>>) dst(%dma_wait3A_282 : memref<112x512xf32, #tpu.memory_space<hbm>>)
          %add3A_287 = arith.constant 2 : i32
          %add3A_288 = arith.addi %add3A_233, %add3A_287 : i32
          %mul3A_289 = arith.constant 112 : i32
          %mul3A_290 = arith.muli %add3A_288, %mul3A_289 : i32
          %dma_start3A_291 = arith.constant 1 : i32
          %dma_start3A_292 = arith.constant 0 : i32
          %dma_start3A_293 = arith.constant 0 : i32
          %dma_start3A_294 = tpu.memref_slice %arg7[%dma_start3A_291, %dma_start3A_292, %dma_start3A_293] : memref<2x112x512xf32, #tpu.memory_space<vmem>> -> memref<1x112x512xf32, #tpu.memory_space<vmem>>
          %dma_start3A_295 = tpu.memref_squeeze %dma_start3A_294 : memref<1x112x512xf32, #tpu.memory_space<vmem>> -> memref<112x512xf32, #tpu.memory_space<vmem>>
          %dma_start3A_296 = tpu.memref_slice %arg6[%mul3A_290] : memref<2400xi32, #tpu.memory_space<vmem>> -> memref<112xi32, #tpu.memory_space<vmem>>
          %dma_start3A_297 = arith.constant 0 : i32
          %dma_start3A_298 = arith.constant 0 : i32
          %dma_start3A_299 = tpu.memref_slice %arg2[%dma_start3A_297, %dma_start3A_298] : memref<49408x512xf32, #tpu.memory_space<hbm>> -> memref<49408x512xf32, #tpu.memory_space<hbm>>
          tpu.enqueue_indirect_dma source(%dma_start3A_299 : memref<49408x512xf32, #tpu.memory_space<hbm>>) target(%dma_start3A_295 : memref<112x512xf32, #tpu.memory_space<vmem>>) offsets(%dma_start3A_296 : memref<112xi32, #tpu.memory_space<vmem>>) semaphore(%arg10 : memref<!tpu.dma_semaphore, #tpu.memory_space<semaphore_mem>>)
        } else {
        }
      } else {
      }
    }
    %scan3A_28 = arith.constant 11 : i32
    %dma_wait3A = arith.constant 0 : i32
    %dma_wait3A_29 = arith.constant 0 : i32
    %dma_wait3A_30 = arith.constant 0 : i32
    %dma_wait3A_31 = tpu.memref_slice %arg7[%dma_wait3A, %dma_wait3A_29, %dma_wait3A_30] : memref<2x112x512xf32, #tpu.memory_space<vmem>> -> memref<1x112x512xf32, #tpu.memory_space<vmem>>
    %dma_wait3A_32 = tpu.memref_squeeze %dma_wait3A_31 : memref<1x112x512xf32, #tpu.memory_space<vmem>> -> memref<112x512xf32, #tpu.memory_space<vmem>>
    %dma_wait3A_33 = arith.constant 0 : i32
    %dma_wait3A_34 = arith.constant 0 : i32
    %dma_wait3A_35 = tpu.memref_slice %arg5[%dma_wait3A_33, %dma_wait3A_34] : memref<78848x512xf32, #tpu.memory_space<hbm>> -> memref<112x512xf32, #tpu.memory_space<hbm>>
    %dma_wait3A_36 = arith.constant 0 : i32
    %dma_wait3A_37 = arith.constant 0 : i32
    %dma_wait3A_38 = tpu.memref_slice %arg5[%dma_wait3A_36, %dma_wait3A_37] : memref<78848x512xf32, #tpu.memory_space<hbm>> -> memref<112x512xf32, #tpu.memory_space<hbm>>
    %dma_wait3A_39 = arith.constant 0 : i32
    %dma_wait3A_40 = arith.constant 0 : i32
    %dma_wait3A_41 = tpu.memref_slice %arg7[%dma_wait3A, %dma_wait3A_39, %dma_wait3A_40] : memref<2x112x512xf32, #tpu.memory_space<vmem>> -> memref<1x112x512xf32, #tpu.memory_space<vmem>>
    %dma_wait3A_42 = tpu.memref_squeeze %dma_wait3A_41 : memref<1x112x512xf32, #tpu.memory_space<vmem>> -> memref<112x512xf32, #tpu.memory_space<vmem>>
    tpu.wait_dma2 semaphore(%arg11 : memref<!tpu.dma_semaphore, #tpu.memory_space<semaphore_mem>>) src(%dma_wait3A_42 : memref<112x512xf32, #tpu.memory_space<vmem>>) dst(%dma_wait3A_38 : memref<112x512xf32, #tpu.memory_space<hbm>>)
    %dma_wait3A_43 = arith.constant 1 : i32
    %dma_wait3A_44 = arith.constant 0 : i32
    %dma_wait3A_45 = arith.constant 0 : i32
    %dma_wait3A_46 = tpu.memref_slice %arg7[%dma_wait3A_43, %dma_wait3A_44, %dma_wait3A_45] : memref<2x112x512xf32, #tpu.memory_space<vmem>> -> memref<1x112x512xf32, #tpu.memory_space<vmem>>
    %dma_wait3A_47 = tpu.memref_squeeze %dma_wait3A_46 : memref<1x112x512xf32, #tpu.memory_space<vmem>> -> memref<112x512xf32, #tpu.memory_space<vmem>>
    %dma_wait3A_48 = arith.constant 0 : i32
    %dma_wait3A_49 = arith.constant 0 : i32
    %dma_wait3A_50 = tpu.memref_slice %arg5[%dma_wait3A_48, %dma_wait3A_49] : memref<78848x512xf32, #tpu.memory_space<hbm>> -> memref<112x512xf32, #tpu.memory_space<hbm>>
    %dma_wait3A_51 = arith.constant 0 : i32
    %dma_wait3A_52 = arith.constant 0 : i32
    %dma_wait3A_53 = tpu.memref_slice %arg5[%dma_wait3A_51, %dma_wait3A_52] : memref<78848x512xf32, #tpu.memory_space<hbm>> -> memref<112x512xf32, #tpu.memory_space<hbm>>
    %dma_wait3A_54 = arith.constant 0 : i32
    %dma_wait3A_55 = arith.constant 0 : i32
    %dma_wait3A_56 = tpu.memref_slice %arg7[%dma_wait3A_43, %dma_wait3A_54, %dma_wait3A_55] : memref<2x112x512xf32, #tpu.memory_space<vmem>> -> memref<1x112x512xf32, #tpu.memory_space<vmem>>
    %dma_wait3A_57 = tpu.memref_squeeze %dma_wait3A_56 : memref<1x112x512xf32, #tpu.memory_space<vmem>> -> memref<112x512xf32, #tpu.memory_space<vmem>>
    tpu.wait_dma2 semaphore(%arg12 : memref<!tpu.dma_semaphore, #tpu.memory_space<semaphore_mem>>) src(%dma_wait3A_57 : memref<112x512xf32, #tpu.memory_space<vmem>>) dst(%dma_wait3A_53 : memref<112x512xf32, #tpu.memory_space<hbm>>)
    %mul3A_58 = arith.constant 32 : i32
    %mul3A_59 = arith.muli %add3A, %mul3A_58 : i32
    "tpu.region"() ({
      %run_scoped3A = tpu.sem_alloc : memref<!tpu.dma_semaphore, #tpu.memory_space<semaphore_mem>>
      %dma_start3A_223 = arith.constant 2368 : i32
      %dma_start3A_224 = tpu.memref_slice %arg6[%dma_start3A_223] : memref<2400xi32, #tpu.memory_space<vmem>> -> memref<32xi32, #tpu.memory_space<vmem>>
      %dma_start3A_225 = tpu.memref_slice %arg3[%mul3A_59] : memref<78848xi32, #tpu.memory_space<hbm>> -> memref<32xi32, #tpu.memory_space<hbm>>
      %dma_start3A_226 = arith.constant 2368 : i32
      %dma_start3A_227 = tpu.memref_slice %arg6[%dma_start3A_226] : memref<2400xi32, #tpu.memory_space<vmem>> -> memref<32xi32, #tpu.memory_space<vmem>>
      %dma_start3A_228 = tpu.memref_slice %arg3[%mul3A_59] : memref<78848xi32, #tpu.memory_space<hbm>> -> memref<32xi32, #tpu.memory_space<hbm>>
      tpu.enqueue_dma source(%dma_start3A_228 : memref<32xi32, #tpu.memory_space<hbm>>) target(%dma_start3A_227 : memref<32xi32, #tpu.memory_space<vmem>>) target_semaphore(%run_scoped3A : memref<!tpu.dma_semaphore, #tpu.memory_space<semaphore_mem>>)
      %dma_wait3A_229 = arith.constant 2368 : i32
      %dma_wait3A_230 = tpu.memref_slice %arg6[%dma_wait3A_229] : memref<2400xi32, #tpu.memory_space<vmem>> -> memref<32xi32, #tpu.memory_space<vmem>>
      %dma_wait3A_231 = tpu.memref_slice %arg3[%mul3A_59] : memref<78848xi32, #tpu.memory_space<hbm>> -> memref<32xi32, #tpu.memory_space<hbm>>
      %dma_wait3A_232 = arith.constant 2368 : i32
      %dma_wait3A_233 = tpu.memref_slice %arg6[%dma_wait3A_232] : memref<2400xi32, #tpu.memory_space<vmem>> -> memref<32xi32, #tpu.memory_space<vmem>>
      %dma_wait3A_234 = tpu.memref_slice %arg3[%mul3A_59] : memref<78848xi32, #tpu.memory_space<hbm>> -> memref<32xi32, #tpu.memory_space<hbm>>
      tpu.wait_dma2 semaphore(%run_scoped3A : memref<!tpu.dma_semaphore, #tpu.memory_space<semaphore_mem>>) src(%dma_wait3A_234 : memref<32xi32, #tpu.memory_space<hbm>>) dst(%dma_wait3A_233 : memref<32xi32, #tpu.memory_space<vmem>>)
      tpu.yield
    }) : () -> ()
    "tpu.region"() ({
      %run_scoped3A = tpu.sem_alloc : memref<!tpu.dma_semaphore, #tpu.memory_space<semaphore_mem>>
      tpu.enqueue_dma source(%arg4 : memref<2x512xf32, #tpu.memory_space<hbm>>) target(%arg8 : memref<2x512xf32, #tpu.memory_space<vmem>>) target_semaphore(%run_scoped3A : memref<!tpu.dma_semaphore, #tpu.memory_space<semaphore_mem>>)
      tpu.wait_dma2 semaphore(%run_scoped3A : memref<!tpu.dma_semaphore, #tpu.memory_space<semaphore_mem>>) src(%arg4 : memref<2x512xf32, #tpu.memory_space<hbm>>) dst(%arg8 : memref<2x512xf32, #tpu.memory_space<vmem>>)
      tpu.yield
    }) : () -> ()
    %dma_start3A_60 = arith.constant 1 : i32
    %dma_start3A_61 = arith.constant 0 : i32
    %dma_start3A_62 = arith.constant 0 : i32
    %dma_start3A_63 = tpu.memref_slice %arg7[%dma_start3A_60, %dma_start3A_61, %dma_start3A_62] : memref<2x112x512xf32, #tpu.memory_space<vmem>> -> memref<1x112x512xf32, #tpu.memory_space<vmem>>
    %dma_start3A_64 = tpu.memref_squeeze %dma_start3A_63 : memref<1x112x512xf32, #tpu.memory_space<vmem>> -> memref<112x512xf32, #tpu.memory_space<vmem>>
    %dma_start3A_65 = arith.constant 0 : i32
    %dma_start3A_66 = arith.constant 0 : i32
    %dma_start3A_67 = tpu.memref_slice %dma_start3A_64[%dma_start3A_65, %dma_start3A_66] : memref<112x512xf32, #tpu.memory_space<vmem>> -> memref<48x512xf32, #tpu.memory_space<vmem>>
    %dma_start3A_68 = arith.constant 2352 : i32
    %dma_start3A_69 = tpu.memref_slice %arg6[%dma_start3A_68] : memref<2400xi32, #tpu.memory_space<vmem>> -> memref<48xi32, #tpu.memory_space<vmem>>
    %dma_start3A_70 = arith.constant 0 : i32
    %dma_start3A_71 = arith.constant 0 : i32
    %dma_start3A_72 = tpu.memref_slice %arg2[%dma_start3A_70, %dma_start3A_71] : memref<49408x512xf32, #tpu.memory_space<hbm>> -> memref<49408x512xf32, #tpu.memory_space<hbm>>
    tpu.enqueue_indirect_dma source(%dma_start3A_72 : memref<49408x512xf32, #tpu.memory_space<hbm>>) target(%dma_start3A_67 : memref<48x512xf32, #tpu.memory_space<vmem>>) offsets(%dma_start3A_69 : memref<48xi32, #tpu.memory_space<vmem>>) semaphore(%arg10 : memref<!tpu.dma_semaphore, #tpu.memory_space<semaphore_mem>>)
    %mul3A_73 = arith.constant 64 : i32
    %mul3A_74 = arith.muli %add3A, %mul3A_73 : i32
    %div3A = arith.constant 1024 : i32
    %div3A_75 = arith.divsi %mul3A_74, %div3A : i32
    %scan3A_76 = arith.constant 0 : i32
    %scan3A_77 = arith.constant 0 : i32
    %scan3A_78 = arith.constant 64 : i32
    %scan3A_79 = arith.addi %scan3A_77, %scan3A_78 : i32
    %scan3A_80 = arith.constant 1 : i32
    scf.for %scan3A_223 = %scan3A_77 to %scan3A_79 step %scan3A_80  : i32 {
      %get3A = arith.index_cast %div3A_75 : i32 to index
      %get3A_224 = arith.constant 0 : index
      %get3A_225 = tpu.vector_load %arg8[%get3A, %get3A_224] {strides = array<i32>} : memref<2x512xf32, #tpu.memory_space<vmem>>, vector<1x16xf32>,
      %get3A_226 = vector.shape_cast %get3A_225 : vector<1x16xf32> to vector<16xf32>
      %swap3A = arith.constant 0 : i32
      %swap3A_227 = arith.index_cast %swap3A : i32 to index
      %swap3A_228 = arith.index_cast %scan3A_223 : i32 to index
      %swap3A_229 = arith.constant 0 : index
      %swap3A_230 = tpu.vector_load %arg7[%swap3A_227, %swap3A_228, %swap3A_229] {strides = array<i32>} : memref<2x112x512xf32, #tpu.memory_space<vmem>>, vector<1x1x16xf32>,
      %swap3A_231 = vector.shape_cast %swap3A_230 : vector<1x1x16xf32> to vector<16xf32>
      %swap3A_232 = vector.shape_cast %get3A_226 : vector<16xf32> to vector<1x1x16xf32>
      tpu.vector_store %arg7[%swap3A_227, %swap3A_228, %swap3A_229], %swap3A_232 {strides = array<i32>} : memref<2x112x512xf32, #tpu.memory_space<vmem>>, vector<1x1x16xf32>,
      %get3A_233 = arith.index_cast %div3A_75 : i32 to index
      %get3A_234 = arith.constant 16 : index
      %get3A_235 = tpu.vector_load %arg8[%get3A_233, %get3A_234] {strides = array<i32>} : memref<2x512xf32, #tpu.memory_space<vmem>>, vector<1x16xf32>,
      %get3A_236 = vector.shape_cast %get3A_235 : vector<1x16xf32> to vector<16xf32>
      %swap3A_237 = arith.constant 0 : i32
      %swap3A_238 = arith.index_cast %swap3A_237 : i32 to index
      %swap3A_239 = arith.index_cast %scan3A_223 : i32 to index
      %swap3A_240 = arith.constant 16 : index
      %swap3A_241 = tpu.vector_load %arg7[%swap3A_238, %swap3A_239, %swap3A_240] {strides = array<i32>} : memref<2x112x512xf32, #tpu.memory_space<vmem>>, vector<1x1x16xf32>,
      %swap3A_242 = vector.shape_cast %swap3A_241 : vector<1x1x16xf32> to vector<16xf32>
      %swap3A_243 = vector.shape_cast %get3A_236 : vector<16xf32> to vector<1x1x16xf32>
      tpu.vector_store %arg7[%swap3A_238, %swap3A_239, %swap3A_240], %swap3A_243 {strides = array<i32>} : memref<2x112x512xf32, #tpu.memory_space<vmem>>, vector<1x1x16xf32>,
      %get3A_244 = arith.index_cast %div3A_75 : i32 to index
      %get3A_245 = arith.constant 32 : index
      %get3A_246 = tpu.vector_load %arg8[%get3A_244, %get3A_245] {strides = array<i32>} : memref<2x512xf32, #tpu.memory_space<vmem>>, vector<1x16xf32>,
      %get3A_247 = vector.shape_cast %get3A_246 : vector<1x16xf32> to vector<16xf32>
      %swap3A_248 = arith.constant 0 : i32
      %swap3A_249 = arith.index_cast %swap3A_248 : i32 to index
      %swap3A_250 = arith.index_cast %scan3A_223 : i32 to index
      %swap3A_251 = arith.constant 32 : index
      %swap3A_252 = tpu.vector_load %arg7[%swap3A_249, %swap3A_250, %swap3A_251] {strides = array<i32>} : memref<2x112x512xf32, #tpu.memory_space<vmem>>, vector<1x1x16xf32>,
      %swap3A_253 = vector.shape_cast %swap3A_252 : vector<1x1x16xf32> to vector<16xf32>
      %swap3A_254 = vector.shape_cast %get3A_247 : vector<16xf32> to vector<1x1x16xf32>
      tpu.vector_store %arg7[%swap3A_249, %swap3A_250, %swap3A_251], %swap3A_254 {strides = array<i32>} : memref<2x112x512xf32, #tpu.memory_space<vmem>>, vector<1x1x16xf32>,
      %get3A_255 = arith.index_cast %div3A_75 : i32 to index
      %get3A_256 = arith.constant 48 : index
      %get3A_257 = tpu.vector_load %arg8[%get3A_255, %get3A_256] {strides = array<i32>} : memref<2x512xf32, #tpu.memory_space<vmem>>, vector<1x16xf32>,
      %get3A_258 = vector.shape_cast %get3A_257 : vector<1x16xf32> to vector<16xf32>
      %swap3A_259 = arith.constant 0 : i32
      %swap3A_260 = arith.index_cast %swap3A_259 : i32 to index
      %swap3A_261 = arith.index_cast %scan3A_223 : i32 to index
      %swap3A_262 = arith.constant 48 : index
      %swap3A_263 = tpu.vector_load %arg7[%swap3A_260, %swap3A_261, %swap3A_262] {strides = array<i32>} : memref<2x112x512xf32, #tpu.memory_space<vmem>>, vector<1x1x16xf32>,
      %swap3A_264 = vector.shape_cast %swap3A_263 : vector<1x1x16xf32> to vector<16xf32>
      %swap3A_265 = vector.shape_cast %get3A_258 : vector<16xf32> to vector<1x1x16xf32>
      tpu.vector_store %arg7[%swap3A_260, %swap3A_261, %swap3A_262], %swap3A_265 {strides = array<i32>} : memref<2x112x512xf32, #tpu.memory_space<vmem>>, vector<1x1x16xf32>,
      %get3A_266 = arith.index_cast %div3A_75 : i32 to index
      %get3A_267 = arith.constant 64 : index
      %get3A_268 = tpu.vector_load %arg8[%get3A_266, %get3A_267] {strides = array<i32>} : memref<2x512xf32, #tpu.memory_space<vmem>>, vector<1x16xf32>,
      %get3A_269 = vector.shape_cast %get3A_268 : vector<1x16xf32> to vector<16xf32>
      %swap3A_270 = arith.constant 0 : i32
      %swap3A_271 = arith.index_cast %swap3A_270 : i32 to index
      %swap3A_272 = arith.index_cast %scan3A_223 : i32 to index
      %swap3A_273 = arith.constant 64 : index
      %swap3A_274 = tpu.vector_load %arg7[%swap3A_271, %swap3A_272, %swap3A_273] {strides = array<i32>} : memref<2x112x512xf32, #tpu.memory_space<vmem>>, vector<1x1x16xf32>,
      %swap3A_275 = vector.shape_cast %swap3A_274 : vector<1x1x16xf32> to vector<16xf32>
      %swap3A_276 = vector.shape_cast %get3A_269 : vector<16xf32> to vector<1x1x16xf32>
      tpu.vector_store %arg7[%swap3A_271, %swap3A_272, %swap3A_273], %swap3A_276 {strides = array<i32>} : memref<2x112x512xf32, #tpu.memory_space<vmem>>, vector<1x1x16xf32>,
      %get3A_277 = arith.index_cast %div3A_75 : i32 to index
      %get3A_278 = arith.constant 80 : index
      %get3A_279 = tpu.vector_load %arg8[%get3A_277, %get3A_278] {strides = array<i32>} : memref<2x512xf32, #tpu.memory_space<vmem>>, vector<1x16xf32>,
      %get3A_280 = vector.shape_cast %get3A_279 : vector<1x16xf32> to vector<16xf32>
      %swap3A_281 = arith.constant 0 : i32
      %swap3A_282 = arith.index_cast %swap3A_281 : i32 to index
      %swap3A_283 = arith.index_cast %scan3A_223 : i32 to index
      %swap3A_284 = arith.constant 80 : index
      %swap3A_285 = tpu.vector_load %arg7[%swap3A_282, %swap3A_283, %swap3A_284] {strides = array<i32>} : memref<2x112x512xf32, #tpu.memory_space<vmem>>, vector<1x1x16xf32>,
      %swap3A_286 = vector.shape_cast %swap3A_285 : vector<1x1x16xf32> to vector<16xf32>
      %swap3A_287 = vector.shape_cast %get3A_280 : vector<16xf32> to vector<1x1x16xf32>
      tpu.vector_store %arg7[%swap3A_282, %swap3A_283, %swap3A_284], %swap3A_287 {strides = array<i32>} : memref<2x112x512xf32, #tpu.memory_space<vmem>>, vector<1x1x16xf32>,
      %get3A_288 = arith.index_cast %div3A_75 : i32 to index
      %get3A_289 = arith.constant 96 : index
      %get3A_290 = tpu.vector_load %arg8[%get3A_288, %get3A_289] {strides = array<i32>} : memref<2x512xf32, #tpu.memory_space<vmem>>, vector<1x16xf32>,
      %get3A_291 = vector.shape_cast %get3A_290 : vector<1x16xf32> to vector<16xf32>
      %swap3A_292 = arith.constant 0 : i32
      %swap3A_293 = arith.index_cast %swap3A_292 : i32 to index
      %swap3A_294 = arith.index_cast %scan3A_223 : i32 to index
      %swap3A_295 = arith.constant 96 : index
      %swap3A_296 = tpu.vector_load %arg7[%swap3A_293, %swap3A_294, %swap3A_295] {strides = array<i32>} : memref<2x112x512xf32, #tpu.memory_space<vmem>>, vector<1x1x16xf32>,
      %swap3A_297 = vector.shape_cast %swap3A_296 : vector<1x1x16xf32> to vector<16xf32>
      %swap3A_298 = vector.shape_cast %get3A_291 : vector<16xf32> to vector<1x1x16xf32>
      tpu.vector_store %arg7[%swap3A_293, %swap3A_294, %swap3A_295], %swap3A_298 {strides = array<i32>} : memref<2x112x512xf32, #tpu.memory_space<vmem>>, vector<1x1x16xf32>,
      %get3A_299 = arith.index_cast %div3A_75 : i32 to index
      %get3A_300 = arith.constant 112 : index
      %get3A_301 = tpu.vector_load %arg8[%get3A_299, %get3A_300] {strides = array<i32>} : memref<2x512xf32, #tpu.memory_space<vmem>>, vector<1x16xf32>,
      %get3A_302 = vector.shape_cast %get3A_301 : vector<1x16xf32> to vector<16xf32>
      %swap3A_303 = arith.constant 0 : i32
      %swap3A_304 = arith.index_cast %swap3A_303 : i32 to index
      %swap3A_305 = arith.index_cast %scan3A_223 : i32 to index
      %swap3A_306 = arith.constant 112 : index
      %swap3A_307 = tpu.vector_load %arg7[%swap3A_304, %swap3A_305, %swap3A_306] {strides = array<i32>} : memref<2x112x512xf32, #tpu.memory_space<vmem>>, vector<1x1x16xf32>,
      %swap3A_308 = vector.shape_cast %swap3A_307 : vector<1x1x16xf32> to vector<16xf32>
      %swap3A_309 = vector.shape_cast %get3A_302 : vector<16xf32> to vector<1x1x16xf32>
      tpu.vector_store %arg7[%swap3A_304, %swap3A_305, %swap3A_306], %swap3A_309 {strides = array<i32>} : memref<2x112x512xf32, #tpu.memory_space<vmem>>, vector<1x1x16xf32>,
      %get3A_310 = arith.index_cast %div3A_75 : i32 to index
      %get3A_311 = arith.constant 128 : index
      %get3A_312 = tpu.vector_load %arg8[%get3A_310, %get3A_311] {strides = array<i32>} : memref<2x512xf32, #tpu.memory_space<vmem>>, vector<1x16xf32>,
      %get3A_313 = vector.shape_cast %get3A_312 : vector<1x16xf32> to vector<16xf32>
      %swap3A_314 = arith.constant 0 : i32
      %swap3A_315 = arith.index_cast %swap3A_314 : i32 to index
      %swap3A_316 = arith.index_cast %scan3A_223 : i32 to index
      %swap3A_317 = arith.constant 128 : index
      %swap3A_318 = tpu.vector_load %arg7[%swap3A_315, %swap3A_316, %swap3A_317] {strides = array<i32>} : memref<2x112x512xf32, #tpu.memory_space<vmem>>, vector<1x1x16xf32>,
      %swap3A_319 = vector.shape_cast %swap3A_318 : vector<1x1x16xf32> to vector<16xf32>
      %swap3A_320 = vector.shape_cast %get3A_313 : vector<16xf32> to vector<1x1x16xf32>
      tpu.vector_store %arg7[%swap3A_315, %swap3A_316, %swap3A_317], %swap3A_320 {strides = array<i32>} : memref<2x112x512xf32, #tpu.memory_space<vmem>>, vector<1x1x16xf32>,
      %get3A_321 = arith.index_cast %div3A_75 : i32 to index
      %get3A_322 = arith.constant 144 : index
      %get3A_323 = tpu.vector_load %arg8[%get3A_321, %get3A_322] {strides = array<i32>} : memref<2x512xf32, #tpu.memory_space<vmem>>, vector<1x16xf32>,
      %get3A_324 = vector.shape_cast %get3A_323 : vector<1x16xf32> to vector<16xf32>
      %swap3A_325 = arith.constant 0 : i32
      %swap3A_326 = arith.index_cast %swap3A_325 : i32 to index
      %swap3A_327 = arith.index_cast %scan3A_223 : i32 to index
      %swap3A_328 = arith.constant 144 : index
      %swap3A_329 = tpu.vector_load %arg7[%swap3A_326, %swap3A_327, %swap3A_328] {strides = array<i32>} : memref<2x112x512xf32, #tpu.memory_space<vmem>>, vector<1x1x16xf32>,
      %swap3A_330 = vector.shape_cast %swap3A_329 : vector<1x1x16xf32> to vector<16xf32>
      %swap3A_331 = vector.shape_cast %get3A_324 : vector<16xf32> to vector<1x1x16xf32>
      tpu.vector_store %arg7[%swap3A_326, %swap3A_327, %swap3A_328], %swap3A_331 {strides = array<i32>} : memref<2x112x512xf32, #tpu.memory_space<vmem>>, vector<1x1x16xf32>,
      %get3A_332 = arith.index_cast %div3A_75 : i32 to index
      %get3A_333 = arith.constant 160 : index
      %get3A_334 = tpu.vector_load %arg8[%get3A_332, %get3A_333] {strides = array<i32>} : memref<2x512xf32, #tpu.memory_space<vmem>>, vector<1x16xf32>,
      %get3A_335 = vector.shape_cast %get3A_334 : vector<1x16xf32> to vector<16xf32>
      %swap3A_336 = arith.constant 0 : i32
      %swap3A_337 = arith.index_cast %swap3A_336 : i32 to index
      %swap3A_338 = arith.index_cast %scan3A_223 : i32 to index
      %swap3A_339 = arith.constant 160 : index
      %swap3A_340 = tpu.vector_load %arg7[%swap3A_337, %swap3A_338, %swap3A_339] {strides = array<i32>} : memref<2x112x512xf32, #tpu.memory_space<vmem>>, vector<1x1x16xf32>,
      %swap3A_341 = vector.shape_cast %swap3A_340 : vector<1x1x16xf32> to vector<16xf32>
      %swap3A_342 = vector.shape_cast %get3A_335 : vector<16xf32> to vector<1x1x16xf32>
      tpu.vector_store %arg7[%swap3A_337, %swap3A_338, %swap3A_339], %swap3A_342 {strides = array<i32>} : memref<2x112x512xf32, #tpu.memory_space<vmem>>, vector<1x1x16xf32>,
      %get3A_343 = arith.index_cast %div3A_75 : i32 to index
      %get3A_344 = arith.constant 176 : index
      %get3A_345 = tpu.vector_load %arg8[%get3A_343, %get3A_344] {strides = array<i32>} : memref<2x512xf32, #tpu.memory_space<vmem>>, vector<1x16xf32>,
      %get3A_346 = vector.shape_cast %get3A_345 : vector<1x16xf32> to vector<16xf32>
      %swap3A_347 = arith.constant 0 : i32
      %swap3A_348 = arith.index_cast %swap3A_347 : i32 to index
      %swap3A_349 = arith.index_cast %scan3A_223 : i32 to index
      %swap3A_350 = arith.constant 176 : index
      %swap3A_351 = tpu.vector_load %arg7[%swap3A_348, %swap3A_349, %swap3A_350] {strides = array<i32>} : memref<2x112x512xf32, #tpu.memory_space<vmem>>, vector<1x1x16xf32>,
      %swap3A_352 = vector.shape_cast %swap3A_351 : vector<1x1x16xf32> to vector<16xf32>
      %swap3A_353 = vector.shape_cast %get3A_346 : vector<16xf32> to vector<1x1x16xf32>
      tpu.vector_store %arg7[%swap3A_348, %swap3A_349, %swap3A_350], %swap3A_353 {strides = array<i32>} : memref<2x112x512xf32, #tpu.memory_space<vmem>>, vector<1x1x16xf32>,
      %get3A_354 = arith.index_cast %div3A_75 : i32 to index
      %get3A_355 = arith.constant 192 : index
      %get3A_356 = tpu.vector_load %arg8[%get3A_354, %get3A_355] {strides = array<i32>} : memref<2x512xf32, #tpu.memory_space<vmem>>, vector<1x16xf32>,
      %get3A_357 = vector.shape_cast %get3A_356 : vector<1x16xf32> to vector<16xf32>
      %swap3A_358 = arith.constant 0 : i32
      %swap3A_359 = arith.index_cast %swap3A_358 : i32 to index
      %swap3A_360 = arith.index_cast %scan3A_223 : i32 to index
      %swap3A_361 = arith.constant 192 : index
      %swap3A_362 = tpu.vector_load %arg7[%swap3A_359, %swap3A_360, %swap3A_361] {strides = array<i32>} : memref<2x112x512xf32, #tpu.memory_space<vmem>>, vector<1x1x16xf32>,
      %swap3A_363 = vector.shape_cast %swap3A_362 : vector<1x1x16xf32> to vector<16xf32>
      %swap3A_364 = vector.shape_cast %get3A_357 : vector<16xf32> to vector<1x1x16xf32>
      tpu.vector_store %arg7[%swap3A_359, %swap3A_360, %swap3A_361], %swap3A_364 {strides = array<i32>} : memref<2x112x512xf32, #tpu.memory_space<vmem>>, vector<1x1x16xf32>,
      %get3A_365 = arith.index_cast %div3A_75 : i32 to index
      %get3A_366 = arith.constant 208 : index
      %get3A_367 = tpu.vector_load %arg8[%get3A_365, %get3A_366] {strides = array<i32>} : memref<2x512xf32, #tpu.memory_space<vmem>>, vector<1x16xf32>,
      %get3A_368 = vector.shape_cast %get3A_367 : vector<1x16xf32> to vector<16xf32>
      %swap3A_369 = arith.constant 0 : i32
      %swap3A_370 = arith.index_cast %swap3A_369 : i32 to index
      %swap3A_371 = arith.index_cast %scan3A_223 : i32 to index
      %swap3A_372 = arith.constant 208 : index
      %swap3A_373 = tpu.vector_load %arg7[%swap3A_370, %swap3A_371, %swap3A_372] {strides = array<i32>} : memref<2x112x512xf32, #tpu.memory_space<vmem>>, vector<1x1x16xf32>,
      %swap3A_374 = vector.shape_cast %swap3A_373 : vector<1x1x16xf32> to vector<16xf32>
      %swap3A_375 = vector.shape_cast %get3A_368 : vector<16xf32> to vector<1x1x16xf32>
      tpu.vector_store %arg7[%swap3A_370, %swap3A_371, %swap3A_372], %swap3A_375 {strides = array<i32>} : memref<2x112x512xf32, #tpu.memory_space<vmem>>, vector<1x1x16xf32>,
      %get3A_376 = arith.index_cast %div3A_75 : i32 to index
      %get3A_377 = arith.constant 224 : index
      %get3A_378 = tpu.vector_load %arg8[%get3A_376, %get3A_377] {strides = array<i32>} : memref<2x512xf32, #tpu.memory_space<vmem>>, vector<1x16xf32>,
      %get3A_379 = vector.shape_cast %get3A_378 : vector<1x16xf32> to vector<16xf32>
      %swap3A_380 = arith.constant 0 : i32
      %swap3A_381 = arith.index_cast %swap3A_380 : i32 to index
      %swap3A_382 = arith.index_cast %scan3A_223 : i32 to index
      %swap3A_383 = arith.constant 224 : index
      %swap3A_384 = tpu.vector_load %arg7[%swap3A_381, %swap3A_382, %swap3A_383] {strides = array<i32>} : memref<2x112x512xf32, #tpu.memory_space<vmem>>, vector<1x1x16xf32>,
      %swap3A_385 = vector.shape_cast %swap3A_384 : vector<1x1x16xf32> to vector<16xf32>
      %swap3A_386 = vector.shape_cast %get3A_379 : vector<16xf32> to vector<1x1x16xf32>
      tpu.vector_store %arg7[%swap3A_381, %swap3A_382, %swap3A_383], %swap3A_386 {strides = array<i32>} : memref<2x112x512xf32, #tpu.memory_space<vmem>>, vector<1x1x16xf32>,
      %get3A_387 = arith.index_cast %div3A_75 : i32 to index
      %get3A_388 = arith.constant 240 : index
      %get3A_389 = tpu.vector_load %arg8[%get3A_387, %get3A_388] {strides = array<i32>} : memref<2x512xf32, #tpu.memory_space<vmem>>, vector<1x16xf32>,
      %get3A_390 = vector.shape_cast %get3A_389 : vector<1x16xf32> to vector<16xf32>
      %swap3A_391 = arith.constant 0 : i32
      %swap3A_392 = arith.index_cast %swap3A_391 : i32 to index
      %swap3A_393 = arith.index_cast %scan3A_223 : i32 to index
      %swap3A_394 = arith.constant 240 : index
      %swap3A_395 = tpu.vector_load %arg7[%swap3A_392, %swap3A_393, %swap3A_394] {strides = array<i32>} : memref<2x112x512xf32, #tpu.memory_space<vmem>>, vector<1x1x16xf32>,
      %swap3A_396 = vector.shape_cast %swap3A_395 : vector<1x1x16xf32> to vector<16xf32>
      %swap3A_397 = vector.shape_cast %get3A_390 : vector<16xf32> to vector<1x1x16xf32>
      tpu.vector_store %arg7[%swap3A_392, %swap3A_393, %swap3A_394], %swap3A_397 {strides = array<i32>} : memref<2x112x512xf32, #tpu.memory_space<vmem>>, vector<1x1x16xf32>,
      %get3A_398 = arith.index_cast %div3A_75 : i32 to index
      %get3A_399 = arith.constant 256 : index
      %get3A_400 = tpu.vector_load %arg8[%get3A_398, %get3A_399] {strides = array<i32>} : memref<2x512xf32, #tpu.memory_space<vmem>>, vector<1x16xf32>,
      %get3A_401 = vector.shape_cast %get3A_400 : vector<1x16xf32> to vector<16xf32>
      %swap3A_402 = arith.constant 0 : i32
      %swap3A_403 = arith.index_cast %swap3A_402 : i32 to index
      %swap3A_404 = arith.index_cast %scan3A_223 : i32 to index
      %swap3A_405 = arith.constant 256 : index
      %swap3A_406 = tpu.vector_load %arg7[%swap3A_403, %swap3A_404, %swap3A_405] {strides = array<i32>} : memref<2x112x512xf32, #tpu.memory_space<vmem>>, vector<1x1x16xf32>,
      %swap3A_407 = vector.shape_cast %swap3A_406 : vector<1x1x16xf32> to vector<16xf32>
      %swap3A_408 = vector.shape_cast %get3A_401 : vector<16xf32> to vector<1x1x16xf32>
      tpu.vector_store %arg7[%swap3A_403, %swap3A_404, %swap3A_405], %swap3A_408 {strides = array<i32>} : memref<2x112x512xf32, #tpu.memory_space<vmem>>, vector<1x1x16xf32>,
      %get3A_409 = arith.index_cast %div3A_75 : i32 to index
      %get3A_410 = arith.constant 272 : index
      %get3A_411 = tpu.vector_load %arg8[%get3A_409, %get3A_410] {strides = array<i32>} : memref<2x512xf32, #tpu.memory_space<vmem>>, vector<1x16xf32>,
      %get3A_412 = vector.shape_cast %get3A_411 : vector<1x16xf32> to vector<16xf32>
      %swap3A_413 = arith.constant 0 : i32
      %swap3A_414 = arith.index_cast %swap3A_413 : i32 to index
      %swap3A_415 = arith.index_cast %scan3A_223 : i32 to index
      %swap3A_416 = arith.constant 272 : index
      %swap3A_417 = tpu.vector_load %arg7[%swap3A_414, %swap3A_415, %swap3A_416] {strides = array<i32>} : memref<2x112x512xf32, #tpu.memory_space<vmem>>, vector<1x1x16xf32>,
      %swap3A_418 = vector.shape_cast %swap3A_417 : vector<1x1x16xf32> to vector<16xf32>
      %swap3A_419 = vector.shape_cast %get3A_412 : vector<16xf32> to vector<1x1x16xf32>
      tpu.vector_store %arg7[%swap3A_414, %swap3A_415, %swap3A_416], %swap3A_419 {strides = array<i32>} : memref<2x112x512xf32, #tpu.memory_space<vmem>>, vector<1x1x16xf32>,
      %get3A_420 = arith.index_cast %div3A_75 : i32 to index
      %get3A_421 = arith.constant 288 : index
      %get3A_422 = tpu.vector_load %arg8[%get3A_420, %get3A_421] {strides = array<i32>} : memref<2x512xf32, #tpu.memory_space<vmem>>, vector<1x16xf32>,
      %get3A_423 = vector.shape_cast %get3A_422 : vector<1x16xf32> to vector<16xf32>
      %swap3A_424 = arith.constant 0 : i32
      %swap3A_425 = arith.index_cast %swap3A_424 : i32 to index
      %swap3A_426 = arith.index_cast %scan3A_223 : i32 to index
      %swap3A_427 = arith.constant 288 : index
      %swap3A_428 = tpu.vector_load %arg7[%swap3A_425, %swap3A_426, %swap3A_427] {strides = array<i32>} : memref<2x112x512xf32, #tpu.memory_space<vmem>>, vector<1x1x16xf32>,
      %swap3A_429 = vector.shape_cast %swap3A_428 : vector<1x1x16xf32> to vector<16xf32>
      %swap3A_430 = vector.shape_cast %get3A_423 : vector<16xf32> to vector<1x1x16xf32>
      tpu.vector_store %arg7[%swap3A_425, %swap3A_426, %swap3A_427], %swap3A_430 {strides = array<i32>} : memref<2x112x512xf32, #tpu.memory_space<vmem>>, vector<1x1x16xf32>,
      %get3A_431 = arith.index_cast %div3A_75 : i32 to index
      %get3A_432 = arith.constant 304 : index
      %get3A_433 = tpu.vector_load %arg8[%get3A_431, %get3A_432] {strides = array<i32>} : memref<2x512xf32, #tpu.memory_space<vmem>>, vector<1x16xf32>,
      %get3A_434 = vector.shape_cast %get3A_433 : vector<1x16xf32> to vector<16xf32>
      %swap3A_435 = arith.constant 0 : i32
      %swap3A_436 = arith.index_cast %swap3A_435 : i32 to index
      %swap3A_437 = arith.index_cast %scan3A_223 : i32 to index
      %swap3A_438 = arith.constant 304 : index
      %swap3A_439 = tpu.vector_load %arg7[%swap3A_436, %swap3A_437, %swap3A_438] {strides = array<i32>} : memref<2x112x512xf32, #tpu.memory_space<vmem>>, vector<1x1x16xf32>,
      %swap3A_440 = vector.shape_cast %swap3A_439 : vector<1x1x16xf32> to vector<16xf32>
      %swap3A_441 = vector.shape_cast %get3A_434 : vector<16xf32> to vector<1x1x16xf32>
      tpu.vector_store %arg7[%swap3A_436, %swap3A_437, %swap3A_438], %swap3A_441 {strides = array<i32>} : memref<2x112x512xf32, #tpu.memory_space<vmem>>, vector<1x1x16xf32>,
      %get3A_442 = arith.index_cast %div3A_75 : i32 to index
      %get3A_443 = arith.constant 320 : index
      %get3A_444 = tpu.vector_load %arg8[%get3A_442, %get3A_443] {strides = array<i32>} : memref<2x512xf32, #tpu.memory_space<vmem>>, vector<1x16xf32>,
      %get3A_445 = vector.shape_cast %get3A_444 : vector<1x16xf32> to vector<16xf32>
      %swap3A_446 = arith.constant 0 : i32
      %swap3A_447 = arith.index_cast %swap3A_446 : i32 to index
      %swap3A_448 = arith.index_cast %scan3A_223 : i32 to index
      %swap3A_449 = arith.constant 320 : index
      %swap3A_450 = tpu.vector_load %arg7[%swap3A_447, %swap3A_448, %swap3A_449] {strides = array<i32>} : memref<2x112x512xf32, #tpu.memory_space<vmem>>, vector<1x1x16xf32>,
      %swap3A_451 = vector.shape_cast %swap3A_450 : vector<1x1x16xf32> to vector<16xf32>
      %swap3A_452 = vector.shape_cast %get3A_445 : vector<16xf32> to vector<1x1x16xf32>
      tpu.vector_store %arg7[%swap3A_447, %swap3A_448, %swap3A_449], %swap3A_452 {strides = array<i32>} : memref<2x112x512xf32, #tpu.memory_space<vmem>>, vector<1x1x16xf32>,
      %get3A_453 = arith.index_cast %div3A_75 : i32 to index
      %get3A_454 = arith.constant 336 : index
      %get3A_455 = tpu.vector_load %arg8[%get3A_453, %get3A_454] {strides = array<i32>} : memref<2x512xf32, #tpu.memory_space<vmem>>, vector<1x16xf32>,
      %get3A_456 = vector.shape_cast %get3A_455 : vector<1x16xf32> to vector<16xf32>
      %swap3A_457 = arith.constant 0 : i32
      %swap3A_458 = arith.index_cast %swap3A_457 : i32 to index
      %swap3A_459 = arith.index_cast %scan3A_223 : i32 to index
      %swap3A_460 = arith.constant 336 : index
      %swap3A_461 = tpu.vector_load %arg7[%swap3A_458, %swap3A_459, %swap3A_460] {strides = array<i32>} : memref<2x112x512xf32, #tpu.memory_space<vmem>>, vector<1x1x16xf32>,
      %swap3A_462 = vector.shape_cast %swap3A_461 : vector<1x1x16xf32> to vector<16xf32>
      %swap3A_463 = vector.shape_cast %get3A_456 : vector<16xf32> to vector<1x1x16xf32>
      tpu.vector_store %arg7[%swap3A_458, %swap3A_459, %swap3A_460], %swap3A_463 {strides = array<i32>} : memref<2x112x512xf32, #tpu.memory_space<vmem>>, vector<1x1x16xf32>,
      %get3A_464 = arith.index_cast %div3A_75 : i32 to index
      %get3A_465 = arith.constant 352 : index
      %get3A_466 = tpu.vector_load %arg8[%get3A_464, %get3A_465] {strides = array<i32>} : memref<2x512xf32, #tpu.memory_space<vmem>>, vector<1x16xf32>,
      %get3A_467 = vector.shape_cast %get3A_466 : vector<1x16xf32> to vector<16xf32>
      %swap3A_468 = arith.constant 0 : i32
      %swap3A_469 = arith.index_cast %swap3A_468 : i32 to index
      %swap3A_470 = arith.index_cast %scan3A_223 : i32 to index
      %swap3A_471 = arith.constant 352 : index
      %swap3A_472 = tpu.vector_load %arg7[%swap3A_469, %swap3A_470, %swap3A_471] {strides = array<i32>} : memref<2x112x512xf32, #tpu.memory_space<vmem>>, vector<1x1x16xf32>,
      %swap3A_473 = vector.shape_cast %swap3A_472 : vector<1x1x16xf32> to vector<16xf32>
      %swap3A_474 = vector.shape_cast %get3A_467 : vector<16xf32> to vector<1x1x16xf32>
      tpu.vector_store %arg7[%swap3A_469, %swap3A_470, %swap3A_471], %swap3A_474 {strides = array<i32>} : memref<2x112x512xf32, #tpu.memory_space<vmem>>, vector<1x1x16xf32>,
      %get3A_475 = arith.index_cast %div3A_75 : i32 to index
      %get3A_476 = arith.constant 368 : index
      %get3A_477 = tpu.vector_load %arg8[%get3A_475, %get3A_476] {strides = array<i32>} : memref<2x512xf32, #tpu.memory_space<vmem>>, vector<1x16xf32>,
      %get3A_478 = vector.shape_cast %get3A_477 : vector<1x16xf32> to vector<16xf32>
      %swap3A_479 = arith.constant 0 : i32
      %swap3A_480 = arith.index_cast %swap3A_479 : i32 to index
      %swap3A_481 = arith.index_cast %scan3A_223 : i32 to index
      %swap3A_482 = arith.constant 368 : index
      %swap3A_483 = tpu.vector_load %arg7[%swap3A_480, %swap3A_481, %swap3A_482] {strides = array<i32>} : memref<2x112x512xf32, #tpu.memory_space<vmem>>, vector<1x1x16xf32>,
      %swap3A_484 = vector.shape_cast %swap3A_483 : vector<1x1x16xf32> to vector<16xf32>
      %swap3A_485 = vector.shape_cast %get3A_478 : vector<16xf32> to vector<1x1x16xf32>
      tpu.vector_store %arg7[%swap3A_480, %swap3A_481, %swap3A_482], %swap3A_485 {strides = array<i32>} : memref<2x112x512xf32, #tpu.memory_space<vmem>>, vector<1x1x16xf32>,
      %get3A_486 = arith.index_cast %div3A_75 : i32 to index
      %get3A_487 = arith.constant 384 : index
      %get3A_488 = tpu.vector_load %arg8[%get3A_486, %get3A_487] {strides = array<i32>} : memref<2x512xf32, #tpu.memory_space<vmem>>, vector<1x16xf32>,
      %get3A_489 = vector.shape_cast %get3A_488 : vector<1x16xf32> to vector<16xf32>
      %swap3A_490 = arith.constant 0 : i32
      %swap3A_491 = arith.index_cast %swap3A_490 : i32 to index
      %swap3A_492 = arith.index_cast %scan3A_223 : i32 to index
      %swap3A_493 = arith.constant 384 : index
      %swap3A_494 = tpu.vector_load %arg7[%swap3A_491, %swap3A_492, %swap3A_493] {strides = array<i32>} : memref<2x112x512xf32, #tpu.memory_space<vmem>>, vector<1x1x16xf32>,
      %swap3A_495 = vector.shape_cast %swap3A_494 : vector<1x1x16xf32> to vector<16xf32>
      %swap3A_496 = vector.shape_cast %get3A_489 : vector<16xf32> to vector<1x1x16xf32>
      tpu.vector_store %arg7[%swap3A_491, %swap3A_492, %swap3A_493], %swap3A_496 {strides = array<i32>} : memref<2x112x512xf32, #tpu.memory_space<vmem>>, vector<1x1x16xf32>,
      %get3A_497 = arith.index_cast %div3A_75 : i32 to index
      %get3A_498 = arith.constant 400 : index
      %get3A_499 = tpu.vector_load %arg8[%get3A_497, %get3A_498] {strides = array<i32>} : memref<2x512xf32, #tpu.memory_space<vmem>>, vector<1x16xf32>,
      %get3A_500 = vector.shape_cast %get3A_499 : vector<1x16xf32> to vector<16xf32>
      %swap3A_501 = arith.constant 0 : i32
      %swap3A_502 = arith.index_cast %swap3A_501 : i32 to index
      %swap3A_503 = arith.index_cast %scan3A_223 : i32 to index
      %swap3A_504 = arith.constant 400 : index
      %swap3A_505 = tpu.vector_load %arg7[%swap3A_502, %swap3A_503, %swap3A_504] {strides = array<i32>} : memref<2x112x512xf32, #tpu.memory_space<vmem>>, vector<1x1x16xf32>,
      %swap3A_506 = vector.shape_cast %swap3A_505 : vector<1x1x16xf32> to vector<16xf32>
      %swap3A_507 = vector.shape_cast %get3A_500 : vector<16xf32> to vector<1x1x16xf32>
      tpu.vector_store %arg7[%swap3A_502, %swap3A_503, %swap3A_504], %swap3A_507 {strides = array<i32>} : memref<2x112x512xf32, #tpu.memory_space<vmem>>, vector<1x1x16xf32>,
      %get3A_508 = arith.index_cast %div3A_75 : i32 to index
      %get3A_509 = arith.constant 416 : index
      %get3A_510 = tpu.vector_load %arg8[%get3A_508, %get3A_509] {strides = array<i32>} : memref<2x512xf32, #tpu.memory_space<vmem>>, vector<1x16xf32>,
      %get3A_511 = vector.shape_cast %get3A_510 : vector<1x16xf32> to vector<16xf32>
      %swap3A_512 = arith.constant 0 : i32
      %swap3A_513 = arith.index_cast %swap3A_512 : i32 to index
      %swap3A_514 = arith.index_cast %scan3A_223 : i32 to index
      %swap3A_515 = arith.constant 416 : index
      %swap3A_516 = tpu.vector_load %arg7[%swap3A_513, %swap3A_514, %swap3A_515] {strides = array<i32>} : memref<2x112x512xf32, #tpu.memory_space<vmem>>, vector<1x1x16xf32>,
      %swap3A_517 = vector.shape_cast %swap3A_516 : vector<1x1x16xf32> to vector<16xf32>
      %swap3A_518 = vector.shape_cast %get3A_511 : vector<16xf32> to vector<1x1x16xf32>
      tpu.vector_store %arg7[%swap3A_513, %swap3A_514, %swap3A_515], %swap3A_518 {strides = array<i32>} : memref<2x112x512xf32, #tpu.memory_space<vmem>>, vector<1x1x16xf32>,
      %get3A_519 = arith.index_cast %div3A_75 : i32 to index
      %get3A_520 = arith.constant 432 : index
      %get3A_521 = tpu.vector_load %arg8[%get3A_519, %get3A_520] {strides = array<i32>} : memref<2x512xf32, #tpu.memory_space<vmem>>, vector<1x16xf32>,
      %get3A_522 = vector.shape_cast %get3A_521 : vector<1x16xf32> to vector<16xf32>
      %swap3A_523 = arith.constant 0 : i32
      %swap3A_524 = arith.index_cast %swap3A_523 : i32 to index
      %swap3A_525 = arith.index_cast %scan3A_223 : i32 to index
      %swap3A_526 = arith.constant 432 : index
      %swap3A_527 = tpu.vector_load %arg7[%swap3A_524, %swap3A_525, %swap3A_526] {strides = array<i32>} : memref<2x112x512xf32, #tpu.memory_space<vmem>>, vector<1x1x16xf32>,
      %swap3A_528 = vector.shape_cast %swap3A_527 : vector<1x1x16xf32> to vector<16xf32>
      %swap3A_529 = vector.shape_cast %get3A_522 : vector<16xf32> to vector<1x1x16xf32>
      tpu.vector_store %arg7[%swap3A_524, %swap3A_525, %swap3A_526], %swap3A_529 {strides = array<i32>} : memref<2x112x512xf32, #tpu.memory_space<vmem>>, vector<1x1x16xf32>,
      %get3A_530 = arith.index_cast %div3A_75 : i32 to index
      %get3A_531 = arith.constant 448 : index
      %get3A_532 = tpu.vector_load %arg8[%get3A_530, %get3A_531] {strides = array<i32>} : memref<2x512xf32, #tpu.memory_space<vmem>>, vector<1x16xf32>,
      %get3A_533 = vector.shape_cast %get3A_532 : vector<1x16xf32> to vector<16xf32>
      %swap3A_534 = arith.constant 0 : i32
      %swap3A_535 = arith.index_cast %swap3A_534 : i32 to index
      %swap3A_536 = arith.index_cast %scan3A_223 : i32 to index
      %swap3A_537 = arith.constant 448 : index
      %swap3A_538 = tpu.vector_load %arg7[%swap3A_535, %swap3A_536, %swap3A_537] {strides = array<i32>} : memref<2x112x512xf32, #tpu.memory_space<vmem>>, vector<1x1x16xf32>,
      %swap3A_539 = vector.shape_cast %swap3A_538 : vector<1x1x16xf32> to vector<16xf32>
      %swap3A_540 = vector.shape_cast %get3A_533 : vector<16xf32> to vector<1x1x16xf32>
      tpu.vector_store %arg7[%swap3A_535, %swap3A_536, %swap3A_537], %swap3A_540 {strides = array<i32>} : memref<2x112x512xf32, #tpu.memory_space<vmem>>, vector<1x1x16xf32>,
      %get3A_541 = arith.index_cast %div3A_75 : i32 to index
      %get3A_542 = arith.constant 464 : index
      %get3A_543 = tpu.vector_load %arg8[%get3A_541, %get3A_542] {strides = array<i32>} : memref<2x512xf32, #tpu.memory_space<vmem>>, vector<1x16xf32>,
      %get3A_544 = vector.shape_cast %get3A_543 : vector<1x16xf32> to vector<16xf32>
      %swap3A_545 = arith.constant 0 : i32
      %swap3A_546 = arith.index_cast %swap3A_545 : i32 to index
      %swap3A_547 = arith.index_cast %scan3A_223 : i32 to index
      %swap3A_548 = arith.constant 464 : index
      %swap3A_549 = tpu.vector_load %arg7[%swap3A_546, %swap3A_547, %swap3A_548] {strides = array<i32>} : memref<2x112x512xf32, #tpu.memory_space<vmem>>, vector<1x1x16xf32>,
      %swap3A_550 = vector.shape_cast %swap3A_549 : vector<1x1x16xf32> to vector<16xf32>
      %swap3A_551 = vector.shape_cast %get3A_544 : vector<16xf32> to vector<1x1x16xf32>
      tpu.vector_store %arg7[%swap3A_546, %swap3A_547, %swap3A_548], %swap3A_551 {strides = array<i32>} : memref<2x112x512xf32, #tpu.memory_space<vmem>>, vector<1x1x16xf32>,
      %get3A_552 = arith.index_cast %div3A_75 : i32 to index
      %get3A_553 = arith.constant 480 : index
      %get3A_554 = tpu.vector_load %arg8[%get3A_552, %get3A_553] {strides = array<i32>} : memref<2x512xf32, #tpu.memory_space<vmem>>, vector<1x16xf32>,
      %get3A_555 = vector.shape_cast %get3A_554 : vector<1x16xf32> to vector<16xf32>
      %swap3A_556 = arith.constant 0 : i32
      %swap3A_557 = arith.index_cast %swap3A_556 : i32 to index
      %swap3A_558 = arith.index_cast %scan3A_223 : i32 to index
      %swap3A_559 = arith.constant 480 : index
      %swap3A_560 = tpu.vector_load %arg7[%swap3A_557, %swap3A_558, %swap3A_559] {strides = array<i32>} : memref<2x112x512xf32, #tpu.memory_space<vmem>>, vector<1x1x16xf32>,
      %swap3A_561 = vector.shape_cast %swap3A_560 : vector<1x1x16xf32> to vector<16xf32>
      %swap3A_562 = vector.shape_cast %get3A_555 : vector<16xf32> to vector<1x1x16xf32>
      tpu.vector_store %arg7[%swap3A_557, %swap3A_558, %swap3A_559], %swap3A_562 {strides = array<i32>} : memref<2x112x512xf32, #tpu.memory_space<vmem>>, vector<1x1x16xf32>,
      %get3A_563 = arith.index_cast %div3A_75 : i32 to index
      %get3A_564 = arith.constant 496 : index
      %get3A_565 = tpu.vector_load %arg8[%get3A_563, %get3A_564] {strides = array<i32>} : memref<2x512xf32, #tpu.memory_space<vmem>>, vector<1x16xf32>,
      %get3A_566 = vector.shape_cast %get3A_565 : vector<1x16xf32> to vector<16xf32>
      %swap3A_567 = arith.constant 0 : i32
      %swap3A_568 = arith.index_cast %swap3A_567 : i32 to index
      %swap3A_569 = arith.index_cast %scan3A_223 : i32 to index
      %swap3A_570 = arith.constant 496 : index
      %swap3A_571 = tpu.vector_load %arg7[%swap3A_568, %swap3A_569, %swap3A_570] {strides = array<i32>} : memref<2x112x512xf32, #tpu.memory_space<vmem>>, vector<1x1x16xf32>,
      %swap3A_572 = vector.shape_cast %swap3A_571 : vector<1x1x16xf32> to vector<16xf32>
      %swap3A_573 = vector.shape_cast %get3A_566 : vector<16xf32> to vector<1x1x16xf32>
      tpu.vector_store %arg7[%swap3A_568, %swap3A_569, %swap3A_570], %swap3A_573 {strides = array<i32>} : memref<2x112x512xf32, #tpu.memory_space<vmem>>, vector<1x1x16xf32>,
    }
    %scan3A_81 = arith.constant 64 : i32
    %mul3A_82 = arith.constant 64 : i32
    %mul3A_83 = arith.muli %add3A, %mul3A_82 : i32
    %add3A_84 = arith.constant 1024 : i32
    %add3A_85 = arith.addi %add3A_84, %mul3A_83 : i32
    %dma_start3A_86 = arith.constant 0 : i32
    %dma_start3A_87 = arith.constant 0 : i32
    %dma_start3A_88 = arith.constant 0 : i32
    %dma_start3A_89 = tpu.memref_slice %arg7[%dma_start3A_86, %dma_start3A_87, %dma_start3A_88] : memref<2x112x512xf32, #tpu.memory_space<vmem>> -> memref<1x112x512xf32, #tpu.memory_space<vmem>>
    %dma_start3A_90 = tpu.memref_squeeze %dma_start3A_89 : memref<1x112x512xf32, #tpu.memory_space<vmem>> -> memref<112x512xf32, #tpu.memory_space<vmem>>
    %dma_start3A_91 = arith.constant 0 : i32
    %dma_start3A_92 = arith.constant 0 : i32
    %dma_start3A_93 = tpu.memref_slice %dma_start3A_90[%dma_start3A_91, %dma_start3A_92] : memref<112x512xf32, #tpu.memory_space<vmem>> -> memref<64x512xf32, #tpu.memory_space<vmem>>
    %dma_start3A_94 = arith.constant 0 : i32
    %dma_start3A_95 = tpu.memref_slice %arg5[%add3A_85, %dma_start3A_94] : memref<78848x512xf32, #tpu.memory_space<hbm>> -> memref<64x512xf32, #tpu.memory_space<hbm>>
    %dma_start3A_96 = arith.constant 0 : i32
    %dma_start3A_97 = tpu.memref_slice %arg5[%add3A_85, %dma_start3A_96] : memref<78848x512xf32, #tpu.memory_space<hbm>> -> memref<64x512xf32, #tpu.memory_space<hbm>>
    %dma_start3A_98 = arith.constant 0 : i32
    %dma_start3A_99 = arith.constant 0 : i32
    %dma_start3A_100 = tpu.memref_slice %arg7[%dma_start3A_86, %dma_start3A_98, %dma_start3A_99] : memref<2x112x512xf32, #tpu.memory_space<vmem>> -> memref<1x112x512xf32, #tpu.memory_space<vmem>>
    %dma_start3A_101 = tpu.memref_squeeze %dma_start3A_100 : memref<1x112x512xf32, #tpu.memory_space<vmem>> -> memref<112x512xf32, #tpu.memory_space<vmem>>
    %dma_start3A_102 = arith.constant 0 : i32
    %dma_start3A_103 = arith.constant 0 : i32
    %dma_start3A_104 = tpu.memref_slice %dma_start3A_101[%dma_start3A_102, %dma_start3A_103] : memref<112x512xf32, #tpu.memory_space<vmem>> -> memref<64x512xf32, #tpu.memory_space<vmem>>
    tpu.enqueue_dma source(%dma_start3A_104 : memref<64x512xf32, #tpu.memory_space<vmem>>) target(%dma_start3A_97 : memref<64x512xf32, #tpu.memory_space<hbm>>) target_semaphore(%arg11 : memref<!tpu.dma_semaphore, #tpu.memory_space<semaphore_mem>>)
    %dma_wait3A_105 = arith.constant 1 : i32
    %dma_wait3A_106 = arith.constant 0 : i32
    %dma_wait3A_107 = arith.constant 0 : i32
    %dma_wait3A_108 = tpu.memref_slice %arg7[%dma_wait3A_105, %dma_wait3A_106, %dma_wait3A_107] : memref<2x112x512xf32, #tpu.memory_space<vmem>> -> memref<1x112x512xf32, #tpu.memory_space<vmem>>
    %dma_wait3A_109 = tpu.memref_squeeze %dma_wait3A_108 : memref<1x112x512xf32, #tpu.memory_space<vmem>> -> memref<112x512xf32, #tpu.memory_space<vmem>>
    %dma_wait3A_110 = arith.constant 0 : i32
    %dma_wait3A_111 = arith.constant 0 : i32
    %dma_wait3A_112 = tpu.memref_slice %dma_wait3A_109[%dma_wait3A_110, %dma_wait3A_111] : memref<112x512xf32, #tpu.memory_space<vmem>> -> memref<48x512xf32, #tpu.memory_space<vmem>>
    %dma_wait3A_113 = arith.constant 0 : i32
    %dma_wait3A_114 = tpu.memref_slice %arg6[%dma_wait3A_113] : memref<2400xi32, #tpu.memory_space<vmem>> -> memref<48xi32, #tpu.memory_space<vmem>>
    %dma_wait3A_115 = arith.constant 0 : i32
    %dma_wait3A_116 = arith.constant 0 : i32
    %dma_wait3A_117 = tpu.memref_slice %arg2[%dma_wait3A_115, %dma_wait3A_116] : memref<49408x512xf32, #tpu.memory_space<hbm>> -> memref<49408x512xf32, #tpu.memory_space<hbm>>
    tpu.wait_indirect_dma semaphore(%arg10 : memref<!tpu.dma_semaphore, #tpu.memory_space<semaphore_mem>>) src(%dma_wait3A_117 : memref<49408x512xf32, #tpu.memory_space<hbm>>) dst(%dma_wait3A_112 : memref<48x512xf32, #tpu.memory_space<vmem>>)
    %add3A_118 = arith.constant 2352 : i32
    %add3A_119 = arith.addi %add3A_4, %add3A_118 : i32
    %dma_start3A_120 = arith.constant 1 : i32
    %dma_start3A_121 = arith.constant 0 : i32
    %dma_start3A_122 = arith.constant 0 : i32
    %dma_start3A_123 = tpu.memref_slice %arg7[%dma_start3A_120, %dma_start3A_121, %dma_start3A_122] : memref<2x112x512xf32, #tpu.memory_space<vmem>> -> memref<1x112x512xf32, #tpu.memory_space<vmem>>
    %dma_start3A_124 = tpu.memref_squeeze %dma_start3A_123 : memref<1x112x512xf32, #tpu.memory_space<vmem>> -> memref<112x512xf32, #tpu.memory_space<vmem>>
    %dma_start3A_125 = arith.constant 0 : i32
    %dma_start3A_126 = arith.constant 0 : i32
    %dma_start3A_127 = tpu.memref_slice %dma_start3A_124[%dma_start3A_125, %dma_start3A_126] : memref<112x512xf32, #tpu.memory_space<vmem>> -> memref<16x512xf32, #tpu.memory_space<vmem>>
    %dma_start3A_128 = arith.constant 0 : i32
    %dma_start3A_129 = tpu.memref_slice %arg5[%add3A_119, %dma_start3A_128] : memref<78848x512xf32, #tpu.memory_space<hbm>> -> memref<16x512xf32, #tpu.memory_space<hbm>>
    %dma_start3A_130 = arith.constant 0 : i32
    %dma_start3A_131 = tpu.memref_slice %arg5[%add3A_119, %dma_start3A_130] : memref<78848x512xf32, #tpu.memory_space<hbm>> -> memref<16x512xf32, #tpu.memory_space<hbm>>
    %dma_start3A_132 = arith.constant 0 : i32
    %dma_start3A_133 = arith.constant 0 : i32
    %dma_start3A_134 = tpu.memref_slice %arg7[%dma_start3A_120, %dma_start3A_132, %dma_start3A_133] : memref<2x112x512xf32, #tpu.memory_space<vmem>> -> memref<1x112x512xf32, #tpu.memory_space<vmem>>
    %dma_start3A_135 = tpu.memref_squeeze %dma_start3A_134 : memref<1x112x512xf32, #tpu.memory_space<vmem>> -> memref<112x512xf32, #tpu.memory_space<vmem>>
    %dma_start3A_136 = arith.constant 0 : i32
    %dma_start3A_137 = arith.constant 0 : i32
    %dma_start3A_138 = tpu.memref_slice %dma_start3A_135[%dma_start3A_136, %dma_start3A_137] : memref<112x512xf32, #tpu.memory_space<vmem>> -> memref<16x512xf32, #tpu.memory_space<vmem>>
    tpu.enqueue_dma source(%dma_start3A_138 : memref<16x512xf32, #tpu.memory_space<vmem>>) target(%dma_start3A_131 : memref<16x512xf32, #tpu.memory_space<hbm>>) target_semaphore(%arg12 : memref<!tpu.dma_semaphore, #tpu.memory_space<semaphore_mem>>)
    %mul3A_139 = arith.constant 32 : i32
    %mul3A_140 = arith.muli %add3A, %mul3A_139 : i32
    %dma_start3A_141 = arith.constant 1 : i32
    %dma_start3A_142 = arith.constant 0 : i32
    %dma_start3A_143 = arith.constant 0 : i32
    %dma_start3A_144 = tpu.memref_slice %arg7[%dma_start3A_141, %dma_start3A_142, %dma_start3A_143] : memref<2x112x512xf32, #tpu.memory_space<vmem>> -> memref<1x112x512xf32, #tpu.memory_space<vmem>>
    %dma_start3A_145 = tpu.memref_squeeze %dma_start3A_144 : memref<1x112x512xf32, #tpu.memory_space<vmem>> -> memref<112x512xf32, #tpu.memory_space<vmem>>
    %dma_start3A_146 = arith.constant 16 : i32
    %dma_start3A_147 = arith.constant 0 : i32
    %dma_start3A_148 = tpu.memref_slice %dma_start3A_145[%dma_start3A_146, %dma_start3A_147] : memref<112x512xf32, #tpu.memory_space<vmem>> -> memref<32x512xf32, #tpu.memory_space<vmem>>
    %dma_start3A_149 = arith.constant 0 : i32
    %dma_start3A_150 = tpu.memref_slice %arg5[%mul3A_140, %dma_start3A_149] : memref<78848x512xf32, #tpu.memory_space<hbm>> -> memref<32x512xf32, #tpu.memory_space<hbm>>
    %dma_start3A_151 = arith.constant 0 : i32
    %dma_start3A_152 = tpu.memref_slice %arg5[%mul3A_140, %dma_start3A_151] : memref<78848x512xf32, #tpu.memory_space<hbm>> -> memref<32x512xf32, #tpu.memory_space<hbm>>
    %dma_start3A_153 = arith.constant 0 : i32
    %dma_start3A_154 = arith.constant 0 : i32
    %dma_start3A_155 = tpu.memref_slice %arg7[%dma_start3A_141, %dma_start3A_153, %dma_start3A_154] : memref<2x112x512xf32, #tpu.memory_space<vmem>> -> memref<1x112x512xf32, #tpu.memory_space<vmem>>
    %dma_start3A_156 = tpu.memref_squeeze %dma_start3A_155 : memref<1x112x512xf32, #tpu.memory_space<vmem>> -> memref<112x512xf32, #tpu.memory_space<vmem>>
    %dma_start3A_157 = arith.constant 16 : i32
    %dma_start3A_158 = arith.constant 0 : i32
    %dma_start3A_159 = tpu.memref_slice %dma_start3A_156[%dma_start3A_157, %dma_start3A_158] : memref<112x512xf32, #tpu.memory_space<vmem>> -> memref<32x512xf32, #tpu.memory_space<vmem>>
    tpu.enqueue_dma source(%dma_start3A_159 : memref<32x512xf32, #tpu.memory_space<vmem>>) target(%dma_start3A_152 : memref<32x512xf32, #tpu.memory_space<hbm>>) target_semaphore(%arg12 : memref<!tpu.dma_semaphore, #tpu.memory_space<semaphore_mem>>)
    %dma_wait3A_160 = arith.constant 0 : i32
    %dma_wait3A_161 = arith.constant 0 : i32
    %dma_wait3A_162 = arith.constant 0 : i32
    %dma_wait3A_163 = tpu.memref_slice %arg7[%dma_wait3A_160, %dma_wait3A_161, %dma_wait3A_162] : memref<2x112x512xf32, #tpu.memory_space<vmem>> -> memref<1x112x512xf32, #tpu.memory_space<vmem>>
    %dma_wait3A_164 = tpu.memref_squeeze %dma_wait3A_163 : memref<1x112x512xf32, #tpu.memory_space<vmem>> -> memref<112x512xf32, #tpu.memory_space<vmem>>
    %dma_wait3A_165 = arith.constant 0 : i32
    %dma_wait3A_166 = arith.constant 0 : i32
    %dma_wait3A_167 = tpu.memref_slice %dma_wait3A_164[%dma_wait3A_165, %dma_wait3A_166] : memref<112x512xf32, #tpu.memory_space<vmem>> -> memref<64x512xf32, #tpu.memory_space<vmem>>
    %dma_wait3A_168 = arith.constant 0 : i32
    %dma_wait3A_169 = arith.constant 0 : i32
    %dma_wait3A_170 = tpu.memref_slice %arg5[%dma_wait3A_168, %dma_wait3A_169] : memref<78848x512xf32, #tpu.memory_space<hbm>> -> memref<64x512xf32, #tpu.memory_space<hbm>>
    %dma_wait3A_171 = arith.constant 0 : i32
    %dma_wait3A_172 = arith.constant 0 : i32
    %dma_wait3A_173 = tpu.memref_slice %arg5[%dma_wait3A_171, %dma_wait3A_172] : memref<78848x512xf32, #tpu.memory_space<hbm>> -> memref<64x512xf32, #tpu.memory_space<hbm>>
    %dma_wait3A_174 = arith.constant 0 : i32
    %dma_wait3A_175 = arith.constant 0 : i32
    %dma_wait3A_176 = tpu.memref_slice %arg7[%dma_wait3A_160, %dma_wait3A_174, %dma_wait3A_175] : memref<2x112x512xf32, #tpu.memory_space<vmem>> -> memref<1x112x512xf32, #tpu.memory_space<vmem>>
    %dma_wait3A_177 = tpu.memref_squeeze %dma_wait3A_176 : memref<1x112x512xf32, #tpu.memory_space<vmem>> -> memref<112x512xf32, #tpu.memory_space<vmem>>
    %dma_wait3A_178 = arith.constant 0 : i32
    %dma_wait3A_179 = arith.constant 0 : i32
    %dma_wait3A_180 = tpu.memref_slice %dma_wait3A_177[%dma_wait3A_178, %dma_wait3A_179] : memref<112x512xf32, #tpu.memory_space<vmem>> -> memref<64x512xf32, #tpu.memory_space<vmem>>
    tpu.wait_dma2 semaphore(%arg11 : memref<!tpu.dma_semaphore, #tpu.memory_space<semaphore_mem>>) src(%dma_wait3A_180 : memref<64x512xf32, #tpu.memory_space<vmem>>) dst(%dma_wait3A_173 : memref<64x512xf32, #tpu.memory_space<hbm>>)
    %dma_wait3A_181 = arith.constant 1 : i32
    %dma_wait3A_182 = arith.constant 0 : i32
    %dma_wait3A_183 = arith.constant 0 : i32
    %dma_wait3A_184 = tpu.memref_slice %arg7[%dma_wait3A_181, %dma_wait3A_182, %dma_wait3A_183] : memref<2x112x512xf32, #tpu.memory_space<vmem>> -> memref<1x112x512xf32, #tpu.memory_space<vmem>>
    %dma_wait3A_185 = tpu.memref_squeeze %dma_wait3A_184 : memref<1x112x512xf32, #tpu.memory_space<vmem>> -> memref<112x512xf32, #tpu.memory_space<vmem>>
    %dma_wait3A_186 = arith.constant 0 : i32
    %dma_wait3A_187 = arith.constant 0 : i32
    %dma_wait3A_188 = tpu.memref_slice %dma_wait3A_185[%dma_wait3A_186, %dma_wait3A_187] : memref<112x512xf32, #tpu.memory_space<vmem>> -> memref<16x512xf32, #tpu.memory_space<vmem>>
    %dma_wait3A_189 = arith.constant 0 : i32
    %dma_wait3A_190 = arith.constant 0 : i32
    %dma_wait3A_191 = tpu.memref_slice %arg5[%dma_wait3A_189, %dma_wait3A_190] : memref<78848x512xf32, #tpu.memory_space<hbm>> -> memref<16x512xf32, #tpu.memory_space<hbm>>
    %dma_wait3A_192 = arith.constant 0 : i32
    %dma_wait3A_193 = arith.constant 0 : i32
    %dma_wait3A_194 = tpu.memref_slice %arg5[%dma_wait3A_192, %dma_wait3A_193] : memref<78848x512xf32, #tpu.memory_space<hbm>> -> memref<16x512xf32, #tpu.memory_space<hbm>>
    %dma_wait3A_195 = arith.constant 0 : i32
    %dma_wait3A_196 = arith.constant 0 : i32
    %dma_wait3A_197 = tpu.memref_slice %arg7[%dma_wait3A_181, %dma_wait3A_195, %dma_wait3A_196] : memref<2x112x512xf32, #tpu.memory_space<vmem>> -> memref<1x112x512xf32, #tpu.memory_space<vmem>>
    %dma_wait3A_198 = tpu.memref_squeeze %dma_wait3A_197 : memref<1x112x512xf32, #tpu.memory_space<vmem>> -> memref<112x512xf32, #tpu.memory_space<vmem>>
    %dma_wait3A_199 = arith.constant 0 : i32
    %dma_wait3A_200 = arith.constant 0 : i32
    %dma_wait3A_201 = tpu.memref_slice %dma_wait3A_198[%dma_wait3A_199, %dma_wait3A_200] : memref<112x512xf32, #tpu.memory_space<vmem>> -> memref<16x512xf32, #tpu.memory_space<vmem>>
    tpu.wait_dma2 semaphore(%arg12 : memref<!tpu.dma_semaphore, #tpu.memory_space<semaphore_mem>>) src(%dma_wait3A_201 : memref<16x512xf32, #tpu.memory_space<vmem>>) dst(%dma_wait3A_194 : memref<16x512xf32, #tpu.memory_space<hbm>>)
    %dma_wait3A_202 = arith.constant 1 : i32
    %dma_wait3A_203 = arith.constant 0 : i32
    %dma_wait3A_204 = arith.constant 0 : i32
    %dma_wait3A_205 = tpu.memref_slice %arg7[%dma_wait3A_202, %dma_wait3A_203, %dma_wait3A_204] : memref<2x112x512xf32, #tpu.memory_space<vmem>> -> memref<1x112x512xf32, #tpu.memory_space<vmem>>
    %dma_wait3A_206 = tpu.memref_squeeze %dma_wait3A_205 : memref<1x112x512xf32, #tpu.memory_space<vmem>> -> memref<112x512xf32, #tpu.memory_space<vmem>>
    %dma_wait3A_207 = arith.constant 0 : i32
    %dma_wait3A_208 = arith.constant 0 : i32
    %dma_wait3A_209 = tpu.memref_slice %dma_wait3A_206[%dma_wait3A_207, %dma_wait3A_208] : memref<112x512xf32, #tpu.memory_space<vmem>> -> memref<32x512xf32, #tpu.memory_space<vmem>>
    %dma_wait3A_210 = arith.constant 0 : i32
    %dma_wait3A_211 = arith.constant 0 : i32
    %dma_wait3A_212 = tpu.memref_slice %arg5[%dma_wait3A_210, %dma_wait3A_211] : memref<78848x512xf32, #tpu.memory_space<hbm>> -> memref<32x512xf32, #tpu.memory_space<hbm>>
    %dma_wait3A_213 = arith.constant 0 : i32
    %dma_wait3A_214 = arith.constant 0 : i32
    %dma_wait3A_215 = tpu.memref_slice %arg5[%dma_wait3A_213, %dma_wait3A_214] : memref<78848x512xf32, #tpu.memory_space<hbm>> -> memref<32x512xf32, #tpu.memory_space<hbm>>
    %dma_wait3A_216 = arith.constant 0 : i32
    %dma_wait3A_217 = arith.constant 0 : i32
    %dma_wait3A_218 = tpu.memref_slice %arg7[%dma_wait3A_202, %dma_wait3A_216, %dma_wait3A_217] : memref<2x112x512xf32, #tpu.memory_space<vmem>> -> memref<1x112x512xf32, #tpu.memory_space<vmem>>
    %dma_wait3A_219 = tpu.memref_squeeze %dma_wait3A_218 : memref<1x112x512xf32, #tpu.memory_space<vmem>> -> memref<112x512xf32, #tpu.memory_space<vmem>>
    %dma_wait3A_220 = arith.constant 0 : i32
    %dma_wait3A_221 = arith.constant 0 : i32
    %dma_wait3A_222 = tpu.memref_slice %dma_wait3A_219[%dma_wait3A_220, %dma_wait3A_221] : memref<112x512xf32, #tpu.memory_space<vmem>> -> memref<32x512xf32, #tpu.memory_space<vmem>>
    tpu.wait_dma2 semaphore(%arg12 : memref<!tpu.dma_semaphore, #tpu.memory_space<semaphore_mem>>) src(%dma_wait3A_222 : memref<32x512xf32, #tpu.memory_space<vmem>>) dst(%dma_wait3A_215 : memref<32x512xf32, #tpu.memory_space<hbm>>)
    return
  }
}

module attributes {stable_mosaic.version = 14 : i64} {
  func.func @_mm_body(%arg0: memref<2x512xf32, #tpu.memory_space<vmem>>, %arg1: memref<512x768xf32, #tpu.memory_space<vmem>>, %arg2: memref<1x768xf32, #tpu.memory_space<vmem>>, %arg3: memref<2x512xf32, #tpu.memory_space<vmem>>, %arg4: memref<512x768xf32, #tpu.memory_space<vmem>>, %arg5: memref<1x768xf32, #tpu.memory_space<vmem>>, %arg6: memref<2x512xf32, #tpu.memory_space<vmem>>, %arg7: memref<512x768xf32, #tpu.memory_space<vmem>>, %arg8: memref<1x768xf32, #tpu.memory_space<vmem>>, %arg9: memref<2x768xf32, #tpu.memory_space<vmem>>, %arg10: memref<2x768xf32, #tpu.memory_space<vmem>>, %arg11: memref<2x768xf32, #tpu.memory_space<vmem>>) attributes {dimension_semantics = [], scalar_prefetch = 0 : i64, scratch_operands = 0 : i64, tpu.core_type = #tpu.core_type<tc>} {
    %get3A = arith.constant 0 : index
    %get3A_0 = arith.constant 0 : index
    %get3A_1 = vector.load %arg0[%get3A, %get3A_0] : memref<2x512xf32, #tpu.memory_space<vmem>>, vector<2x512xf32>
    %get3A_2 = arith.constant 0 : index
    %get3A_3 = arith.constant 0 : index
    %get3A_4 = vector.load %arg1[%get3A_2, %get3A_3] : memref<512x768xf32, #tpu.memory_space<vmem>>, vector<512x768xf32>
    %dot_general3A = arith.constant dense<0.000000e+00> : vector<2x768xf32>
    %dot_general3A_5 = tpu.matmul %get3A_1, %get3A_4, %dot_general3A {dimension_numbers = #tpu.dot_dimension_numbers<[1], [0], [0], [1], [0, 0, 1, 1], [], []>, transpose_lhs_hint = false} : vector<2x512xf32>, vector<512x768xf32>, vector<2x768xf32> -> vector<2x768xf32>
    %get3A_6 = arith.constant 0 : index
    %get3A_7 = arith.constant 0 : index
    %get3A_8 = vector.load %arg2[%get3A_6, %get3A_7] : memref<1x768xf32, #tpu.memory_space<vmem>>, vector<1x768xf32>
    %add3A = vector.broadcast %get3A_8 : vector<1x768xf32> to vector<2x768xf32>
    %add3A_9 = arith.addf %dot_general3A_5, %add3A : vector<2x768xf32>
    %swap3A = arith.constant 0 : index
    %swap3A_10 = arith.constant 0 : index
    %swap3A_11 = vector.load %arg9[%swap3A, %swap3A_10] : memref<2x768xf32, #tpu.memory_space<vmem>>, vector<2x768xf32>
    tpu.vector_store %arg9[%swap3A, %swap3A_10], %add3A_9 {strides = array<i32>} : memref<2x768xf32, #tpu.memory_space<vmem>>, vector<2x768xf32>,
    %get3A_12 = arith.constant 0 : index
    %get3A_13 = arith.constant 0 : index
    %get3A_14 = vector.load %arg3[%get3A_12, %get3A_13] : memref<2x512xf32, #tpu.memory_space<vmem>>, vector<2x512xf32>
    %get3A_15 = arith.constant 0 : index
    %get3A_16 = arith.constant 0 : index
    %get3A_17 = vector.load %arg4[%get3A_15, %get3A_16] : memref<512x768xf32, #tpu.memory_space<vmem>>, vector<512x768xf32>
    %dot_general3A_18 = arith.constant dense<0.000000e+00> : vector<2x768xf32>
    %dot_general3A_19 = tpu.matmul %get3A_14, %get3A_17, %dot_general3A_18 {dimension_numbers = #tpu.dot_dimension_numbers<[1], [0], [0], [1], [0, 0, 1, 1], [], []>, transpose_lhs_hint = false} : vector<2x512xf32>, vector<512x768xf32>, vector<2x768xf32> -> vector<2x768xf32>
    %get3A_20 = arith.constant 0 : index
    %get3A_21 = arith.constant 0 : index
    %get3A_22 = vector.load %arg5[%get3A_20, %get3A_21] : memref<1x768xf32, #tpu.memory_space<vmem>>, vector<1x768xf32>
    %add3A_23 = vector.broadcast %get3A_22 : vector<1x768xf32> to vector<2x768xf32>
    %add3A_24 = arith.addf %dot_general3A_19, %add3A_23 : vector<2x768xf32>
    %swap3A_25 = arith.constant 0 : index
    %swap3A_26 = arith.constant 0 : index
    %swap3A_27 = vector.load %arg10[%swap3A_25, %swap3A_26] : memref<2x768xf32, #tpu.memory_space<vmem>>, vector<2x768xf32>
    tpu.vector_store %arg10[%swap3A_25, %swap3A_26], %add3A_24 {strides = array<i32>} : memref<2x768xf32, #tpu.memory_space<vmem>>, vector<2x768xf32>,
    %get3A_28 = arith.constant 0 : index
    %get3A_29 = arith.constant 0 : index
    %get3A_30 = vector.load %arg6[%get3A_28, %get3A_29] : memref<2x512xf32, #tpu.memory_space<vmem>>, vector<2x512xf32>
    %get3A_31 = arith.constant 0 : index
    %get3A_32 = arith.constant 0 : index
    %get3A_33 = vector.load %arg7[%get3A_31, %get3A_32] : memref<512x768xf32, #tpu.memory_space<vmem>>, vector<512x768xf32>
    %dot_general3A_34 = arith.constant dense<0.000000e+00> : vector<2x768xf32>
    %dot_general3A_35 = tpu.matmul %get3A_30, %get3A_33, %dot_general3A_34 {dimension_numbers = #tpu.dot_dimension_numbers<[1], [0], [0], [1], [0, 0, 1, 1], [], []>, transpose_lhs_hint = false} : vector<2x512xf32>, vector<512x768xf32>, vector<2x768xf32> -> vector<2x768xf32>
    %get3A_36 = arith.constant 0 : index
    %get3A_37 = arith.constant 0 : index
    %get3A_38 = vector.load %arg8[%get3A_36, %get3A_37] : memref<1x768xf32, #tpu.memory_space<vmem>>, vector<1x768xf32>
    %add3A_39 = vector.broadcast %get3A_38 : vector<1x768xf32> to vector<2x768xf32>
    %add3A_40 = arith.addf %dot_general3A_35, %add3A_39 : vector<2x768xf32>
    %swap3A_41 = arith.constant 0 : index
    %swap3A_42 = arith.constant 0 : index
    %swap3A_43 = vector.load %arg11[%swap3A_41, %swap3A_42] : memref<2x768xf32, #tpu.memory_space<vmem>>, vector<2x768xf32>
    tpu.vector_store %arg11[%swap3A_41, %swap3A_42], %add3A_40 {strides = array<i32>} : memref<2x768xf32, #tpu.memory_space<vmem>>, vector<2x768xf32>,
    return
  }
}

</mosaic_0001>

<sc_bundles>
// kernel: kernel.4.cloned.1.call-start
scs
__scs_entry_jumppad:
0x0: {  	(pc) =	sbr.rel $0x88, $3  }
0x1: {  	(tag) =	ssettag $0x0;
	lr =	simm.s32 $0x1  }
0x2: {  	[smem:$0x3F96] =	sst lr;
	_ =	strace $0xD0000000  }
0x3: {  	_ = 	snop  }
0x4: {  	_ = 	snop  }
0x5: {  	_ = 	snop  }
0x6: {  	_ = 	snop  }
0x7: {  	_ = 	snop  }
__scs_overlays_trampoline_lowered:
0x8: {  	[smem:$0x3FA5] =	sst s0  }
0x9: {  	[smem:$0x3FA6] =	sst s1  }
0xa: {  	[smem:$0x3FA7] =	sst s2  }
0xb: {  	[smem:$0x3FA8] =	sst s3  }
0xc: {  	[smem:$0x3FA9] =	sst s4  }
0xd: {  	[smem:$0x3FAA] =	sst s5  }
0xe: {  	[smem:$0x3FAB] =	sst s6  }
0xf: {  	[smem:$0x3FAC] =	sst s7  }
0x10: {  	[smem:$0x3FAD] =	sst s8  }
0x11: {  	[smem:$0x3FAE] =	sst s9;
	s0 =	simm.s32 @!p0 $0x0  }
0x12: {  	s1 =	sld [smem:$0x3F94];
	s0 =	simm.s32 @p0 $0x1  }
0x13: {  	[smem:$0x3FAF] =	sst s0;
	s0 =	simm.s32 @!p1 $0x0  }
0x14: {  	s2 =	sld [smem:$0x3F93];
	s0 =	simm.s32 @p1 $0x1  }
0x15: {  	[smem:$0x3FB0] =	sst s0;
	s0 =	simm.s32 @!p2 $0x0  }
0x16: {  	s3 =	sld [smem:$0x3FDB];
	s0 =	simm.s32 @p2 $0x1  }
0x17: {  	s4 =	simm.s32 $0x1BF5;
	[smem:$0x3FB2] =	sst s0  }
0x18: {  	s0 =	sld [smem:$0x3F95];
	_ =	swait.ge [sflag:s4], $0x0  }
0x19: {  	s7 =	sld [smem:$0x3F96]  }
0x1a: {  	s8 =	sadd.s32 $0xFFFFE003, lr  }
0x1b: {  	s9 =	sadd.s32 $0xFFFFFEF7, lr;
	s5 =	simm.s32 $0xFFFFFFFF;
	p2 =	slt.u32 s8, $0xFFFFF086  }
0x1c: {  	p1 =	slt.u32 s9, $0xF7A;
	s5 =	simm.s32 @!p2 $0x0  }
0x1d: {  	s5 =	simm.s32 @p1 $0x1;
	p0 =	seq.s32 s7, s2  }
0x1e: {  	s7 =	smul.u32 @!p0 $0xF7A, s2;
	p2 =	seq.s32 @!p0 s5, $0x0  }
0x1f: {  	s9 =	smul.u32 $0xF7A, s1;
	s8 =	simm.s32 @!p0 $0x1BF5;
	p2 =	por !p2, p0  }
0x20: {  	[sflag:s8] =	ssyncset.s32 @!p0 $0xFFFFF086;
	s6 =	sadd.s32 @!p0 s3, s7;
	s7 =	simm.s32 @!p0 $0x108  }
0x21: {  	s3 =	sadd.s32 s3, s9;
	s6 =	sadd.s32 @!p0 $0x88, s6;
	s7 =	simm.s32 @p2 $0x1082  }
0x22: {  	[simem:s7], [sflag:s8] =	dma.local @!p0 [hbm:s6], $0xF7A  }
0x23: {  	s9 =	sor.u32 $0xD0000000, s2;
	s6 =	simm.s32 $0x108;
	_ =	swait.ge @!p0 [sflag:s8], $0x0  }
0x24: {  	s3 =	sadd.s32 $0x88, s3;
	s6 =	simm.s32 @!p1 $0x1082;
	[sflag:s4] =	ssyncset.s32 $0xFFFFF086  }
0x25: {  	[simem:s6], [sflag:s4] =	dma.local [hbm:s3], $0xF7A  }
0x26: {  	[smem:$0x3F96] =	sst s1;
	(tag) =	ssettag s2;
	_ =	strace s9  }
0x27: {  	s1 =	sld [smem:$0x3FA6]  }
0x28: {  	s2 =	sld [smem:$0x3FA7]  }
0x29: {  	s4 =	sld [smem:$0x3FA9]  }
0x2a: {  	p0 =	seq.s32 s5, $0x0;
	s5 =	sld [smem:$0x3FAA]  }
0x2b: {  	s6 =	sld [smem:$0x3FAB]  }
0x2c: {  	s7 =	sld [smem:$0x3FAC]  }
0x2d: {  	s3 =	simm.s32 $0x108;
	s8 =	sld [smem:$0x3FAD]  }
0x2e: {  	s3 =	simm.s32 @!p0 $0x1082;
	s9 =	sld [smem:$0x3FAE]  }
0x2f: {  	lr =	sadd.s32 s0, s3;
	s0 =	sld [smem:$0x3FA5]  }
0x30: {  	s3 =	sld [smem:$0x3FA8]  }
0x31: {  	[smem:$0x3FB1] =	sst s10  }
0x32: {  	s10 =	sld [smem:$0x3FAF];
	_ =	sdelay $0x3  }
0x33: {  	p0 =	seq.s32 s10, $0x1;
	s10 =	sld [smem:$0x3FB1];
	_ =	sdelay $0x3  }
0x34: {  	[smem:$0x3FB1] =	sst s10  }
0x35: {  	s10 =	sld [smem:$0x3FB0];
	_ =	sdelay $0x3  }
0x36: {  	p1 =	seq.s32 s10, $0x1;
	s10 =	sld [smem:$0x3FB1];
	_ =	sdelay $0x3  }
0x37: {  	[smem:$0x3FB1] =	sst s10  }
0x38: {  	s10 =	sld [smem:$0x3FB2]  }
0x39: {  	_ = 	snop;
	(pc) =	sbr.ind lr, $3  }
0x3a: {  	_ = 	snop  }
0x3b: {  	_ = 	snop  }
0x3c: {  	p2 =	seq.s32 s10, $0x1;
	s10 =	sld [smem:$0x3FB1]  }
0x3d: {  	_ =	shalt  }
0x3e: {  	_ =	shalt  }
0x3f: {  	_ =	shalt  }
0x40: {  	_ =	shalt  }
0x41: {  	_ =	shalt  }
0x42: {  	_ =	shalt  }
0x43: {  	_ =	shalt  }
0x44: {  	_ =	shalt  }
0x45: {  	_ =	shalt  }
0x46: {  	_ =	shalt  }
0x47: {  	_ =	shalt  }
0x48: {  	_ =	shalt  }
0x49: {  	_ =	shalt  }
0x4a: {  	_ =	shalt  }
0x4b: {  	_ =	shalt  }
0x4c: {  	_ =	shalt  }
0x4d: {  	_ =	shalt  }
0x4e: {  	_ =	shalt  }
0x4f: {  	_ =	shalt  }
0x50: {  	_ =	shalt  }
0x51: {  	_ =	shalt  }
0x52: {  	_ =	shalt  }
0x53: {  	_ =	shalt  }
0x54: {  	_ =	shalt  }
0x55: {  	_ =	shalt  }
0x56: {  	_ =	shalt  }
0x57: {  	_ =	shalt  }
0x58: {  	_ =	shalt  }
0x59: {  	_ =	shalt  }
0x5a: {  	_ =	shalt  }
0x5b: {  	_ =	shalt  }
0x5c: {  	_ =	shalt  }
0x5d: {  	_ =	shalt  }
0x5e: {  	_ =	shalt  }
0x5f: {  	_ =	shalt  }
0x60: {  	_ =	shalt  }
0x61: {  	_ =	shalt  }
0x62: {  	_ =	shalt  }
0x63: {  	_ =	shalt  }
0x64: {  	_ =	shalt  }
0x65: {  	_ =	shalt  }
0x66: {  	_ =	shalt  }
0x67: {  	_ =	shalt  }
0x68: {  	_ =	shalt  }
0x69: {  	_ =	shalt  }
0x6a: {  	_ =	shalt  }
0x6b: {  	_ =	shalt  }
0x6c: {  	_ =	shalt  }
0x6d: {  	_ =	shalt  }
0x6e: {  	_ =	shalt  }
0x6f: {  	_ =	shalt  }
0x70: {  	_ =	shalt  }
0x71: {  	_ =	shalt  }
0x72: {  	_ =	shalt  }
0x73: {  	_ =	shalt  }
0x74: {  	_ =	shalt  }
0x75: {  	_ =	shalt  }
0x76: {  	_ =	shalt  }
0x77: {  	_ =	shalt  }
0x78: {  	_ =	shalt  }
0x79: {  	_ =	shalt  }
0x7a: {  	_ =	shalt  }
0x7b: {  	_ =	shalt  }
0x7c: {  	_ =	shalt  }
0x7d: {  	_ =	shalt  }
0x7e: {  	_ =	shalt  }
0x7f: {  	_ =	shalt  }
0x80: {  	_ =	shalt  }
0x81: {  	_ =	shalt  }
0x82: {  	_ =	shalt  }
0x83: {  	_ =	shalt  }
0x84: {  	_ =	shalt  }
0x85: {  	_ =	shalt  }
0x86: {  	_ =	shalt  }
0x87: {  	_ =	shalt  }
.Lfunc_end0:
.L_simem_size_0:
called_computation_lowered:
.L_overlay_start_0:
0x88: {  	s2 =	sld [smem:$0x3FD9]  }
0x89: {  	s3 =	sld [smem:$0x3FFE];
	_ =	sdelay $0x1  }
0x8a: {  	s1 =	srdreg.scid  }
0x8b: {  	s0 =	sand.u32 $0x1, s1  }
0x8c: {  	s15 =	sshll.u32 s0, $0xA;
	s2 =	sadd.s32 s3, s2  }
0x8d: {  	s2 =	sadd.s32 s2, s15  }
0x8e: {  	[smem:$0x3FBD] =	sst s2  }
0x8f: {  	_ = 	snop  }
0x90: {  	s2 =	sld [smem:$0x3FD0];
	_ =	sdelay $0x1  }
0x91: {  	s16 =	sld [smem:$0x3FC8]  }
0x92: {  	s5 =	simm.s32 $0xA;
	s6 =	simm.s32 $0x10;
	s4 =	sld [smem:$0x3FC7]  }
0x93: {  	[smem:s6], [sflag:s5] =	dma.local [hbm:s2], $0x1  }
0x94: {  	_ =	swait.eq [sflag:s5], $0x1  }
0x95: {  	[sflag:s5] =	ssyncset.done $0x0  }
0x96: {  	s17 =	sld [smem:$0x10];
	[sflag:s5] =	ssyncadd.s32 $0xFFFFFFFF  }
0x97: {  	s18 =	sld [smem:$0x11];
	(tm) =	ssettm $0x1  }
0x98: {  	s19 =	sld [smem:$0x3FFB];
	_ =	sdelay $0x3  }
0x99: {  	_ =	strace s19  }
0x9a: {  	s6 =	sld [smem:$0x3FFC];
	_ =	sdelay $0x3  }
0x9b: {  	_ =	strace s6  }
0x9c: {  	s6 =	sld [smem:$0x3FFD];
	_ =	sdelay $0x3  }
0x9d: {  	_ =	strace s6  }
0x9e: {  	_ =	strace $0x8FFFFFFF  }
0x9f: {  	s20 =	sld [smem:$0x3FDB];
	_ =	sdelay $0x1  }
0xa0: {  	s7 =	simm.s32 $_scs_section_size  }
0xa1: {  	s8 =	simm.s32 $_size__tile_overlayer_lowered;
	s9 =	simm.s32 $_tile_overlayer_lowered  }
0xa2: {  	s23 =	simm.s32 $0x1BFF;
	s22 =	sshll.u32 s9, $0x1;
	s6 =	sadd.s32 s7, s20  }
0xa3: {  	s10 =	simm.s32 $0x0;
	s21 =	sshll.u32 s8, $0x1;
	s8 =	sadd.s32 s22, s6  }
0xa4: {  	[timem:s10], [sflag:s23] =	dma.local [hbm:s8], s21  }
0xa5: {  	_ =	swait.ge [sflag:s23], s21  }
0xa6: {  	s7 =	ssub.s32 $0x0, s21;
	[sflag:s23] =	ssyncset.done $0x0  }
0xa7: {  	[sflag:s23] =	ssyncadd.s32 s7;
	_ =	sdelay $0x1  }
0xa8: {  	s24 =	simm.s32 $0x1B8B  }
0xa9: {  	_ =	swait.ge [sflag:s24], $0x1  }
0xaa: {  	[sflag:s24] =	ssyncset.done $0x0  }
0xab: {  	s25 =	simm.s32 $0x1B8E;
	[sflag:s24] =	ssyncadd.s32 $0xFFFFFFFF  }
0xac: {  	s26 =	simm.s32 $execute0_lowered;
	[smem:$0x3FD2] =	sst s25  }
0xad: {  	s7 =	sshll.u32 s26, $0x1;
	_ =	strace $0x80000046;
	[dreg:$0x1] =	wrdreg $0xFFFFFFFF  }
0xae: {  	s28 =	simm.s32 $_size_execute0_lowered;
	s6 =	sadd.s32 s6, s7;
	[dreg:$0x0] =	wrdreg $0x0  }
0xaf: {  	s7 =	sshll.u32 s28, $0x1;
	[dreg:$0x2] =	wrdreg s6  }
0xb0: {  	[dreg:$0x3] =	wrdreg s7  }
0xb1: {  	[dreg:$0x4] =	wrdreg $0xC0  }
0xb2: {  	_ =	task [dreg:s10], $0x5FFFF  }
0xb3: {  	[dreg:$0x1] =	wrdreg $0xFFFFFFFF  }
0xb4: {  	[dreg:$0x0] =	wrdreg $0x60  }
0xb5: {  	[dreg:$0x2] =	wrdreg s16  }
0xb6: {  	[dreg:$0x3] =	wrdreg s18  }
0xb7: {  	[dreg:$0x4] =	wrdreg s4  }
0xb8: {  	[dreg:$0x5] =	wrdreg s17  }
0xb9: {  	[dreg:$0x6] =	wrdreg $0x9  }
0xba: {  	_ =	task.clear_ibuf [dreg:s10], $0x7FFFF;
	_ =	strace $0x90000046  }
0xbb: {  	s29 =	simm.s32 $0x9;
	_ =	strace $0x80000048  }
0xbc: {  	_ =	swait.ge [sflag:s29], $0x1  }
0xbd: {  	[sflag:s29] =	ssyncadd.s32 $0xFFFFFFFF  }
0xbe: {  	_ =	strace $0x90000048  }
0xbf: {  	_ =	sfence  }
0xc0: {  	s30 =	sld [smem:$0x0];
	_ =	sdelay $0x2  }
0xc1: {  	s31 =	sshll.u32 s1, $0xD;
	s1 =	sshrl.u32 s1, $0x2  }
0xc2: {  	s3 =	sand.u32 $0x4000, s31;
	s1 =	sadd.s32 s1, s30  }
0xc3: {  	s0 =	sor.u32 s3, s0;
	s1 =	sshll.u32 s1, $0x11  }
0xc4: {  	s0 =	sor.u32 s1, s0  }
0xc5: {  	s0 =	sadd.s32 $0x8F2B, s0  }
0xc6: {  	[sflag:s0] =	ssyncadd.remote.s32 $0x1  }
0xc7: {  	_ =	sfence.sel $0xFFFF  }
0xc8: {  	[dreg:$0x0] =	wrdreg $0xFFFFFFFF;
	(pc) =	sbr.abs _section_cstart, $3  }
0xc9: {  	[dreg:$0x1] =	wrdreg $0xFFFFFFFF  }
0xca: {  	_ =	task.clear_ibuf [dreg:s10], $0x2FFFF;
	_ =	strace $0x9FFFFFFF  }
0xcb: {  	(tm) =	ssettm $0x7FFFFFFF  }
tec
execute0_lowered:
.L_overlay_start_1:
0x0: {  	(tag) =	ssettag $0x1  }
0x1: {  	s1 =	rddreg [dreg:$0x0]  }
0x2: {  	s0 =	rddreg [dreg:$0x1];
	s2 =	srdreg.scid  }
0x3: {  	s12 =	stileid.u32;
	s5 =	rddreg [dreg:$0x3]  }
0x4: {  	s4 =	simm.s32 $0x0;
	s29 =	simm.s32 $0x5;
	s16 =	simm.s32 $0x980  }
0x5: {  	s13 =	simm.s32 $0xC180;
	s15 =	simm.s32 $0xC980;
	s17 =	simm.s32 $0xD180  }
0x6: {  	s18 =	simm.s32 $0xD980;
	s19 =	simm.s32 $0xE180;
	s20 =	simm.s32 $0x1  }
0x7: {  	s31 =	simm.s32 $0xE980;
	s2 =	sand.u32 $0x1, s2;
	s3 =	sshll.u32 s12, $0x1  }
0x8: {  	[smem:$0x7FF] =	sst s4;
	s22 =	sshll.u32 s12, $0x4;
	s25 =	smul.u32 $0x4A000, s12  }
0x9: {  	s12 =	simm.s32 $0xB980;
	s3 =	sor.u32 s2, s3;
	s7 =	ssub.s32 $0x2, s2  }
0xa: {  	_ =	strace $0x80000047;
	s9 =	sor.u32 $0x370, s22;
	s2 =	smul.u32 $0x25000, s2  }
0xb: {  	s6 =	smul.u32 $0x940, s3;
	s8 =	sshrl.u32 s7, $0x1;
	s21 =	sshll.u32 s3, $0x2  }
0xc: {  	s10 =	sshll.u32 s3, $0xC;
	s11 =	smul.u32 $0x128000, s3;
	s3 =	sshll.u32 s3, $0xB  }
0xd: {  	s28 =	sadd.s32 s25, s5;
	s25 =	simm.s32 $0x10980;
	s7 =	ssub.s32 s7, s8  }
0xe: {  	s8 =	sand.u32 $0x80, s22;
	s23 =	sadd.s32 s10, s5;
	s26 =	sadd.s32 s5, s3  }
0xf: {  	s14 =	sadd.s32 s2, s28;
	s3 =	simm.s32 $0x9180;
	s10 =	simm.s32 $0xA980  }
0x10: {  	s22 =	simm.s32 $0x4;
	s2 =	simm.s32 $0x0;
	s6 =	sshrl.u32 s6, $0x3  }
0x11: {  	s24 =	sshrl.u32 s11, $0x3;
	[dreg:$0x9] =	wrdreg s26;
	s30 =	smax.u32 s7, $0x1  }
0x12: {  	s6 =	sadd.s32 s0, s6;
	s0 =	sadd.s32 s0, s21;
	[dreg:$0xa] =	wrdreg s30  }
0x13: {  	s7 =	simm.s32 $0xA180;
	s6 =	sadd.s32 $0x180, s6;
	[dreg:$0x6] =	wrdreg s0  }
0x14: {  	s11 =	simm.s32 $0xB180;
	s0 =	sadd.s32 $0x10000, s23;
	[dreg:$0x5] =	wrdreg s6  }
0x15: {  	v2 =	vlaneseq.u32;
	s21 =	simm.s32 $0x3;
	[dreg:$0x7] =	wrdreg s0;
	s0 =	sadd.s32 s5, s24  }
0x16: {  	vm0 =	vmmov $0xffff;
	v1 =	vshrl.u32 v2, $0x3;
	s6 =	sadd.s32 $0x100, s1;
	s5 =	simm.s32 $0x9980;
	s0 =	sadd.s32 $0x54C00, s0  }
0x17: {  	v0 =	vand.u32 $0x7, v2;
	v2 =	vor.u32 $0x8, v2;
	v1 =	vmul.u32 $0x8, v1;
	s24 =	simm.s32 $0xE980;
	[dreg:$0x8] =	wrdreg s0;
	s0 =	simm.s32 $0x8980  }
.LBB2_1:
0x18: {  	[dreg:$0xb] =	wrdreg s2  }
0x19: {  	s23 =	rddreg [dreg:$0x5]  }
0x1a: {  	[tilespmem:s4], [sflag:$0x5] =	stream.linear.gather [hbm4b:s23+s4], $0x940, $0x38;
	[tilespmem:$0x1CD80] =	vst v63  }
0x1b: {  	_ =	swait.ge [sflag:s29], $0x940  }
0x1c: {  	[sflag:s29] =	ssyncset.done $0x0  }
0x1d: {  	[sflag:s29] =	ssyncadd.s32 $0xFFFFF6C0  }
0x1e: {  	v3 =	vld [tilespmem:$0x0];
	_ =	sdelay $0x4  }
0x1f: {  	v4 =	vshll.u32 v3, $0x2  }
0x20: {  	v3 =	vand.u32 $0x7, v3;
	v4 =	vand.u32 $0xFFFFFFE0, v4  }
0x21: {  	v3 =	vor.u32 v3, v4  }
0x22: {  	v4 =	vperm.xlane v3, v0;
	_ =	sdelay $0x1  }
0x23: {  	v4 =	vadd.s32 v1, v4;
	_ =	sdelay $0x1  }
0x24: {  	v3 =	vperm.xlane v3, v2;
	_ =	sdelay $0x1  }
0x25: {  	v3 =	vadd.s32 v1, v3  }
0x26: {  	[tilespmem:s16], [sflag:$0x1] =	stream.indirect_vreg.gather [hbm4b:s1+s4], $0x80, v4, vm0, $0xb8;
	[tilespmem:$0x1CD80] =	vst v63  }
0x27: {  	s30 =	simm.s32 $0x1180  }
0x28: {  	[tilespmem:s30], [sflag:$0x1] =	stream.indirect_vreg.gather [hbm4b:s6+s4], $0x80, v4, vm0, $0xb8;
	[tilespmem:$0x1CD80] =	vst v63  }
0x29: {  	s2 =	simm.s32 $0x1980  }
0x2a: {  	[tilespmem:s2], [sflag:$0x1] =	stream.indirect_vreg.gather [hbm4b:s1+s4], $0x80, v3, vm0, $0xb8;
	[tilespmem:$0x1CD80] =	vst v63  }
0x2b: {  	s26 =	simm.s32 $0x2180  }
0x2c: {  	[tilespmem:s26], [sflag:$0x1] =	stream.indirect_vreg.gather [hbm4b:s6+s4], $0x80, v3, vm0, $0xb8;
	[tilespmem:$0x1CD80] =	vst v63  }
0x2d: {  	v3 =	vld [tilespmem:$0x10];
	_ =	sdelay $0x4  }
0x2e: {  	v51 =	vshll.u32 v3, $0x2  }
0x2f: {  	v3 =	vand.u32 $0x7, v3;
	v4 =	vand.u32 $0xFFFFFFE0, v51  }
0x30: {  	v3 =	vor.u32 v3, v4  }
0x31: {  	v4 =	vperm.xlane v3, v0;
	_ =	sdelay $0x1  }
0x32: {  	v4 =	vadd.s32 v1, v4;
	_ =	sdelay $0x1  }
0x33: {  	v3 =	vperm.xlane v3, v2;
	_ =	sdelay $0x1  }
0x34: {  	s28 =	simm.s32 $0x2980;
	v3 =	vadd.s32 v1, v3  }
0x35: {  	[tilespmem:s28], [sflag:$0x1] =	stream.indirect_vreg.gather [hbm4b:s1+s4], $0x80, v4, vm0, $0xb8;
	[tilespmem:$0x1CD80] =	vst v63  }
0x36: {  	s29 =	simm.s32 $0x3180  }
0x37: {  	[tilespmem:s29], [sflag:$0x1] =	stream.indirect_vreg.gather [hbm4b:s6+s4], $0x80, v4, vm0, $0xb8;
	[tilespmem:$0x1CD80] =	vst v63  }
0x38: {  	s30 =	simm.s32 $0x3980  }
0x39: {  	[tilespmem:s30], [sflag:$0x1] =	stream.indirect_vreg.gather [hbm4b:s1+s4], $0x80, v3, vm0, $0xb8;
	[tilespmem:$0x1CD80] =	vst v63  }
0x3a: {  	s2 =	simm.s32 $0x4180  }
0x3b: {  	[tilespmem:s2], [sflag:$0x1] =	stream.indirect_vreg.gather [hbm4b:s6+s4], $0x80, v3, vm0, $0xb8;
	[tilespmem:$0x1CD80] =	vst v63  }
0x3c: {  	v3 =	vld [tilespmem:$0x20];
	_ =	sdelay $0x4  }
0x3d: {  	v52 =	vshll.u32 v3, $0x2  }
0x3e: {  	v3 =	vand.u32 $0x7, v3;
	v4 =	vand.u32 $0xFFFFFFE0, v52  }
0x3f: {  	v3 =	vor.u32 v3, v4  }
0x40: {  	v4 =	vperm.xlane v3, v0;
	_ =	sdelay $0x1  }
0x41: {  	v4 =	vadd.s32 v1, v4;
	_ =	sdelay $0x1  }
0x42: {  	v3 =	vperm.xlane v3, v2;
	_ =	sdelay $0x1  }
0x43: {  	s26 =	simm.s32 $0x4980;
	v3 =	vadd.s32 v1, v3  }
0x44: {  	[tilespmem:s26], [sflag:$0x1] =	stream.indirect_vreg.gather [hbm4b:s1+s4], $0x80, v4, vm0, $0xb8;
	[tilespmem:$0x1CD80] =	vst v63  }
0x45: {  	s28 =	simm.s32 $0x5180  }
0x46: {  	[tilespmem:s28], [sflag:$0x1] =	stream.indirect_vreg.gather [hbm4b:s6+s4], $0x80, v4, vm0, $0xb8;
	[tilespmem:$0x1CD80] =	vst v63  }
0x47: {  	s29 =	simm.s32 $0x5980  }
0x48: {  	[tilespmem:s29], [sflag:$0x1] =	stream.indirect_vreg.gather [hbm4b:s1+s4], $0x80, v3, vm0, $0xb8;
	[tilespmem:$0x1CD80] =	vst v63  }
0x49: {  	s30 =	simm.s32 $0x6180  }
0x4a: {  	[tilespmem:s30], [sflag:$0x1] =	stream.indirect_vreg.gather [hbm4b:s6+s4], $0x80, v3, vm0, $0xb8;
	[tilespmem:$0x1CD80] =	vst v63  }
0x4b: {  	v3 =	vld [tilespmem:$0x30];
	_ =	sdelay $0x4  }
0x4c: {  	v53 =	vshll.u32 v3, $0x2  }
0x4d: {  	v3 =	vand.u32 $0x7, v3;
	v4 =	vand.u32 $0xFFFFFFE0, v53  }
0x4e: {  	v3 =	vor.u32 v3, v4  }
0x4f: {  	v4 =	vperm.xlane v3, v0;
	_ =	sdelay $0x1  }
0x50: {  	v4 =	vadd.s32 v1, v4;
	_ =	sdelay $0x1  }
0x51: {  	v3 =	vperm.xlane v3, v2;
	_ =	sdelay $0x1  }
0x52: {  	s2 =	simm.s32 $0x6980;
	v3 =	vadd.s32 v1, v3  }
0x53: {  	[tilespmem:s2], [sflag:$0x1] =	stream.indirect_vreg.gather [hbm4b:s1+s4], $0x80, v4, vm0, $0xb8;
	[tilespmem:$0x1CD80] =	vst v63  }
0x54: {  	s26 =	simm.s32 $0x7180  }
0x55: {  	[tilespmem:s26], [sflag:$0x1] =	stream.indirect_vreg.gather [hbm4b:s6+s4], $0x80, v4, vm0, $0xb8;
	[tilespmem:$0x1CD80] =	vst v63  }
0x56: {  	s28 =	simm.s32 $0x7980  }
0x57: {  	[tilespmem:s28], [sflag:$0x1] =	stream.indirect_vreg.gather [hbm4b:s1+s4], $0x80, v3, vm0, $0xb8;
	[tilespmem:$0x1CD80] =	vst v63  }
0x58: {  	s29 =	simm.s32 $0x8180  }
0x59: {  	[tilespmem:s29], [sflag:$0x1] =	stream.indirect_vreg.gather [hbm4b:s6+s4], $0x80, v3, vm0, $0xb8;
	[tilespmem:$0x1CD80] =	vst v63  }
0x5a: {  	v3 =	vld [tilespmem:$0x40];
	_ =	sdelay $0x4  }
0x5b: {  	v54 =	vshll.u32 v3, $0x2  }
0x5c: {  	v3 =	vand.u32 $0x7, v3;
	v4 =	vand.u32 $0xFFFFFFE0, v54  }
0x5d: {  	v3 =	vor.u32 v3, v4  }
0x5e: {  	v4 =	vperm.xlane v3, v0;
	_ =	sdelay $0x1  }
0x5f: {  	v4 =	vadd.s32 v1, v4;
	_ =	sdelay $0x1  }
0x60: {  	v3 =	vperm.xlane v3, v2;
	_ =	sdelay $0x1  }
0x61: {  	v3 =	vadd.s32 v1, v3  }
0x62: {  	[tilespmem:s0], [sflag:$0x1] =	stream.indirect_vreg.gather [hbm4b:s1+s4], $0x80, v4, vm0, $0xb8;
	[tilespmem:$0x1CD80] =	vst v63  }
0x63: {  	_ = 	snop  }
0x64: {  	[tilespmem:s3], [sflag:$0x1] =	stream.indirect_vreg.gather [hbm4b:s6+s4], $0x80, v4, vm0, $0xb8;
	[tilespmem:$0x1CD80] =	vst v63  }
0x65: {  	_ = 	snop  }
0x66: {  	[tilespmem:s5], [sflag:$0x1] =	stream.indirect_vreg.gather [hbm4b:s1+s4], $0x80, v3, vm0, $0xb8;
	[tilespmem:$0x1CD80] =	vst v63  }
0x67: {  	_ = 	snop  }
0x68: {  	[tilespmem:s7], [sflag:$0x1] =	stream.indirect_vreg.gather [hbm4b:s6+s4], $0x80, v3, vm0, $0xb8;
	[tilespmem:$0x1CD80] =	vst v63  }
0x69: {  	v3 =	vld [tilespmem:$0x50];
	_ =	sdelay $0x4  }
0x6a: {  	v55 =	vshll.u32 v3, $0x2  }
0x6b: {  	v3 =	vand.u32 $0x7, v3;
	v4 =	vand.u32 $0xFFFFFFE0, v55  }
0x6c: {  	v3 =	vor.u32 v3, v4  }
0x6d: {  	v4 =	vperm.xlane v3, v0;
	_ =	sdelay $0x1  }
0x6e: {  	v4 =	vadd.s32 v1, v4;
	_ =	sdelay $0x1  }
0x6f: {  	v3 =	vperm.xlane v3, v2;
	_ =	sdelay $0x1  }
0x70: {  	v3 =	vadd.s32 v1, v3  }
0x71: {  	[tilespmem:s10], [sflag:$0x1] =	stream.indirect_vreg.gather [hbm4b:s1+s4], $0x80, v4, vm0, $0xb8;
	[tilespmem:$0x1CD80] =	vst v63  }
0x72: {  	_ = 	snop  }
0x73: {  	[tilespmem:s11], [sflag:$0x1] =	stream.indirect_vreg.gather [hbm4b:s6+s4], $0x80, v4, vm0, $0xb8;
	[tilespmem:$0x1CD80] =	vst v63  }
0x74: {  	_ = 	snop  }
0x75: {  	[tilespmem:s12], [sflag:$0x1] =	stream.indirect_vreg.gather [hbm4b:s1+s4], $0x80, v3, vm0, $0xb8;
	[tilespmem:$0x1CD80] =	vst v63  }
0x76: {  	_ = 	snop  }
0x77: {  	[tilespmem:s13], [sflag:$0x1] =	stream.indirect_vreg.gather [hbm4b:s6+s4], $0x80, v3, vm0, $0xb8;
	[tilespmem:$0x1CD80] =	vst v63  }
0x78: {  	v3 =	vld [tilespmem:$0x60];
	_ =	sdelay $0x4  }
0x79: {  	v56 =	vshll.u32 v3, $0x2  }
0x7a: {  	v3 =	vand.u32 $0x7, v3;
	v4 =	vand.u32 $0xFFFFFFE0, v56  }
0x7b: {  	v3 =	vor.u32 v3, v4  }
0x7c: {  	v4 =	vperm.xlane v3, v0;
	_ =	sdelay $0x1  }
0x7d: {  	v4 =	vadd.s32 v1, v4;
	_ =	sdelay $0x1  }
0x7e: {  	v3 =	vperm.xlane v3, v2;
	_ =	sdelay $0x1  }
0x7f: {  	v3 =	vadd.s32 v1, v3  }
0x80: {  	[tilespmem:s15], [sflag:$0x1] =	stream.indirect_vreg.gather [hbm4b:s1+s4], $0x80, v4, vm0, $0xb8;
	[tilespmem:$0x1CD80] =	vst v63  }
0x81: {  	_ = 	snop  }
0x82: {  	[tilespmem:s17], [sflag:$0x1] =	stream.indirect_vreg.gather [hbm4b:s6+s4], $0x80, v4, vm0, $0xb8;
	[tilespmem:$0x1CD80] =	vst v63  }
0x83: {  	_ = 	snop  }
0x84: {  	[tilespmem:s18], [sflag:$0x1] =	stream.indirect_vreg.gather [hbm4b:s1+s4], $0x80, v3, vm0, $0xb8;
	[tilespmem:$0x1CD80] =	vst v63  }
0x85: {  	_ = 	snop  }
0x86: {  	[tilespmem:s19], [sflag:$0x1] =	stream.indirect_vreg.gather [hbm4b:s6+s4], $0x80, v3, vm0, $0xb8;
	[tilespmem:$0x1CD80] =	vst v63  }
0x87: {  	v3 =	vld [tilespmem:$0x70];
	_ =	sdelay $0x4  }
0x88: {  	v57 =	vshll.u32 v3, $0x2  }
0x89: {  	v3 =	vand.u32 $0x7, v3;
	v4 =	vand.u32 $0xFFFFFFE0, v57  }
0x8a: {  	v3 =	vor.u32 v3, v4  }
0x8b: {  	v4 =	vperm.xlane v3, v0;
	_ =	sdelay $0x1  }
0x8c: {  	v4 =	vadd.s32 v1, v4;
	_ =	sdelay $0x1  }
0x8d: {  	v3 =	vperm.xlane v3, v2;
	_ =	sdelay $0x1  }
0x8e: {  	v3 =	vadd.s32 v1, v3  }
0x8f: {  	[tilespmem:s24], [sflag:$0x2] =	stream.indirect_vreg.gather [hbm4b:s1+s4], $0x80, v4, vm0, $0xb8;
	[tilespmem:$0x1CD80] =	vst v63  }
0x90: {  	s30 =	simm.s32 $0xF180  }
0x91: {  	[tilespmem:s30], [sflag:$0x2] =	stream.indirect_vreg.gather [hbm4b:s6+s4], $0x80, v4, vm0, $0xb8;
	[tilespmem:$0x1CD80] =	vst v63  }
0x92: {  	s2 =	simm.s32 $0xF980  }
0x93: {  	[tilespmem:s2], [sflag:$0x2] =	stream.indirect_vreg.gather [hbm4b:s1+s4], $0x80, v3, vm0, $0xb8;
	[tilespmem:$0x1CD80] =	vst v63  }
0x94: {  	s24 =	simm.s32 $0x10180  }
0x95: {  	[tilespmem:s24], [sflag:$0x2] =	stream.indirect_vreg.gather [hbm4b:s6+s4], $0x80, v3, vm0, $0xb8;
	[tilespmem:$0x1CD80] =	vst v63  }
0x96: {  	v3 =	vld [tilespmem:$0x80];
	_ =	sdelay $0x4  }
0x97: {  	v58 =	vshll.u32 v3, $0x2  }
0x98: {  	v3 =	vand.u32 $0x7, v3;
	v4 =	vand.u32 $0xFFFFFFE0, v58  }
0x99: {  	v3 =	vor.u32 v3, v4  }
0x9a: {  	v4 =	vperm.xlane v3, v0;
	_ =	sdelay $0x1  }
0x9b: {  	v4 =	vadd.s32 v1, v4;
	_ =	sdelay $0x1  }
0x9c: {  	v3 =	vperm.xlane v3, v2;
	_ =	sdelay $0x1  }
0x9d: {  	v3 =	vadd.s32 v1, v3  }
0x9e: {  	[tilespmem:s25], [sflag:$0x2] =	stream.indirect_vreg.gather [hbm4b:s1+s4], $0x80, v4, vm0, $0xb8;
	[tilespmem:$0x1CD80] =	vst v63  }
0x9f: {  	s25 =	simm.s32 $0x11180  }
0xa0: {  	[tilespmem:s25], [sflag:$0x2] =	stream.indirect_vreg.gather [hbm4b:s6+s4], $0x80, v4, vm0, $0xb8;
	[tilespmem:$0x1CD80] =	vst v63  }
0xa1: {  	s26 =	simm.s32 $0x11980  }
0xa2: {  	[tilespmem:s26], [sflag:$0x2] =	stream.indirect_vreg.gather [hbm4b:s1+s4], $0x80, v3, vm0, $0xb8;
	[tilespmem:$0x1CD80] =	vst v63  }
0xa3: {  	s28 =	simm.s32 $0x12180  }
0xa4: {  	[tilespmem:s28], [sflag:$0x2] =	stream.indirect_vreg.gather [hbm4b:s6+s4], $0x80, v3, vm0, $0xb8;
	[tilespmem:$0x1CD80] =	vst v63  }
0xa5: {  	v3 =	vld [tilespmem:$0x90];
	_ =	sdelay $0x4  }
0xa6: {  	v59 =	vshll.u32 v3, $0x2  }
0xa7: {  	v3 =	vand.u32 $0x7, v3;
	v4 =	vand.u32 $0xFFFFFFE0, v59  }
0xa8: {  	v3 =	vor.u32 v3, v4  }
0xa9: {  	v4 =	vperm.xlane v3, v0;
	_ =	sdelay $0x1  }
0xaa: {  	v4 =	vadd.s32 v1, v4;
	_ =	sdelay $0x1  }
0xab: {  	v3 =	vperm.xlane v3, v2;
	_ =	sdelay $0x1  }
0xac: {  	s29 =	simm.s32 $0x12980;
	v3 =	vadd.s32 v1, v3  }
0xad: {  	[tilespmem:s29], [sflag:$0x2] =	stream.indirect_vreg.gather [hbm4b:s1+s4], $0x80, v4, vm0, $0xb8;
	[tilespmem:$0x1CD80] =	vst v63  }
0xae: {  	s30 =	simm.s32 $0x13180  }
0xaf: {  	[tilespmem:s30], [sflag:$0x2] =	stream.indirect_vreg.gather [hbm4b:s6+s4], $0x80, v4, vm0, $0xb8;
	[tilespmem:$0x1CD80] =	vst v63  }
0xb0: {  	s24 =	simm.s32 $0x13980  }
0xb1: {  	[tilespmem:s24], [sflag:$0x2] =	stream.indirect_vreg.gather [hbm4b:s1+s4], $0x80, v3, vm0, $0xb8;
	[tilespmem:$0x1CD80] =	vst v63  }
0xb2: {  	s25 =	simm.s32 $0x14180  }
0xb3: {  	[tilespmem:s25], [sflag:$0x2] =	stream.indirect_vreg.gather [hbm4b:s6+s4], $0x80, v3, vm0, $0xb8;
	[tilespmem:$0x1CD80] =	vst v63  }
0xb4: {  	v3 =	vld [tilespmem:$0xA0];
	_ =	sdelay $0x4  }
0xb5: {  	v60 =	vshll.u32 v3, $0x2  }
0xb6: {  	v3 =	vand.u32 $0x7, v3;
	v4 =	vand.u32 $0xFFFFFFE0, v60  }
0xb7: {  	v3 =	vor.u32 v3, v4  }
0xb8: {  	v4 =	vperm.xlane v3, v0;
	_ =	sdelay $0x1  }
0xb9: {  	v4 =	vadd.s32 v1, v4;
	_ =	sdelay $0x1  }
0xba: {  	v3 =	vperm.xlane v3, v2;
	_ =	sdelay $0x1  }
0xbb: {  	s26 =	simm.s32 $0x14980;
	v3 =	vadd.s32 v1, v3  }
0xbc: {  	[tilespmem:s26], [sflag:$0x2] =	stream.indirect_vreg.gather [hbm4b:s1+s4], $0x80, v4, vm0, $0xb8;
	[tilespmem:$0x1CD80] =	vst v63  }
0xbd: {  	s28 =	simm.s32 $0x15180  }
0xbe: {  	[tilespmem:s28], [sflag:$0x2] =	stream.indirect_vreg.gather [hbm4b:s6+s4], $0x80, v4, vm0, $0xb8;
	[tilespmem:$0x1CD80] =	vst v63  }
0xbf: {  	s29 =	simm.s32 $0x15980  }
0xc0: {  	[tilespmem:s29], [sflag:$0x2] =	stream.indirect_vreg.gather [hbm4b:s1+s4], $0x80, v3, vm0, $0xb8;
	[tilespmem:$0x1CD80] =	vst v63  }
0xc1: {  	s30 =	simm.s32 $0x16180  }
0xc2: {  	[tilespmem:s30], [sflag:$0x2] =	stream.indirect_vreg.gather [hbm4b:s6+s4], $0x80, v3, vm0, $0xb8;
	[tilespmem:$0x1CD80] =	vst v63  }
0xc3: {  	v3 =	vld [tilespmem:$0xB0];
	_ =	sdelay $0x4  }
0xc4: {  	v61 =	vshll.u32 v3, $0x2  }
0xc5: {  	v3 =	vand.u32 $0x7, v3;
	v4 =	vand.u32 $0xFFFFFFE0, v61  }
0xc6: {  	v3 =	vor.u32 v3, v4  }
0xc7: {  	v4 =	vperm.xlane v3, v0;
	_ =	sdelay $0x1  }
0xc8: {  	v4 =	vadd.s32 v1, v4;
	_ =	sdelay $0x1  }
0xc9: {  	v3 =	vperm.xlane v3, v2;
	_ =	sdelay $0x1  }
0xca: {  	s24 =	simm.s32 $0x16980;
	v3 =	vadd.s32 v1, v3  }
0xcb: {  	[tilespmem:s24], [sflag:$0x2] =	stream.indirect_vreg.gather [hbm4b:s1+s4], $0x80, v4, vm0, $0xb8;
	[tilespmem:$0x1CD80] =	vst v63  }
0xcc: {  	s25 =	simm.s32 $0x17180  }
0xcd: {  	[tilespmem:s25], [sflag:$0x2] =	stream.indirect_vreg.gather [hbm4b:s6+s4], $0x80, v4, vm0, $0xb8;
	[tilespmem:$0x1CD80] =	vst v63  }
0xce: {  	s26 =	simm.s32 $0x17980  }
0xcf: {  	[tilespmem:s26], [sflag:$0x2] =	stream.indirect_vreg.gather [hbm4b:s1+s4], $0x80, v3, vm0, $0xb8;
	[tilespmem:$0x1CD80] =	vst v63  }
0xd0: {  	s28 =	simm.s32 $0x18180  }
0xd1: {  	[tilespmem:s28], [sflag:$0x2] =	stream.indirect_vreg.gather [hbm4b:s6+s4], $0x80, v3, vm0, $0xb8;
	[tilespmem:$0x1CD80] =	vst v63  }
0xd2: {  	v3 =	vld [tilespmem:$0xC0];
	_ =	sdelay $0x4  }
0xd3: {  	v62 =	vshll.u32 v3, $0x2  }
0xd4: {  	v3 =	vand.u32 $0x7, v3;
	v4 =	vand.u32 $0xFFFFFFE0, v62  }
0xd5: {  	v3 =	vor.u32 v3, v4  }
0xd6: {  	v4 =	vperm.xlane v3, v0;
	_ =	sdelay $0x1  }
0xd7: {  	v4 =	vadd.s32 v1, v4;
	_ =	sdelay $0x1  }
0xd8: {  	v3 =	vperm.xlane v3, v2;
	_ =	sdelay $0x1  }
0xd9: {  	s29 =	simm.s32 $0x18980;
	v3 =	vadd.s32 v1, v3  }
0xda: {  	[tilespmem:s29], [sflag:$0x2] =	stream.indirect_vreg.gather [hbm4b:s1+s4], $0x80, v4, vm0, $0xb8;
	[tilespmem:$0x1CD80] =	vst v63  }
0xdb: {  	s30 =	simm.s32 $0x19180  }
0xdc: {  	[tilespmem:s30], [sflag:$0x2] =	stream.indirect_vreg.gather [hbm4b:s6+s4], $0x80, v4, vm0, $0xb8;
	[tilespmem:$0x1CD80] =	vst v63  }
0xdd: {  	s24 =	simm.s32 $0x19980  }
0xde: {  	[tilespmem:s24], [sflag:$0x2] =	stream.indirect_vreg.gather [hbm4b:s1+s4], $0x80, v3, vm0, $0xb8;
	[tilespmem:$0x1CD80] =	vst v63  }
0xdf: {  	s25 =	simm.s32 $0x1A180  }
0xe0: {  	[tilespmem:s25], [sflag:$0x2] =	stream.indirect_vreg.gather [hbm4b:s6+s4], $0x80, v3, vm0, $0xb8;
	[tilespmem:$0x1CD80] =	vst v63  }
0xe1: {  	v3 =	vld [tilespmem:$0xD0];
	_ =	sdelay $0x4  }
0xe2: {  	v63 =	vshll.u32 v3, $0x2  }
0xe3: {  	v3 =	vand.u32 $0x7, v3;
	v4 =	vand.u32 $0xFFFFFFE0, v63  }
0xe4: {  	v3 =	vor.u32 v3, v4  }
0xe5: {  	v4 =	vperm.xlane v3, v0;
	_ =	sdelay $0x1  }
0xe6: {  	v4 =	vadd.s32 v1, v4;
	_ =	sdelay $0x2  }
0xe7: {  	v3 =	vperm.xlane v3, v2  }
0xe8: {  	s26 =	simm.s32 $0x1A980  }
0xe9: {  	v3 =	vadd.s32 v1, v3;
	[tilespmem:s26], [sflag:$0x2] =	stream.indirect_vreg.gather [hbm4b:s1+s4], $0x80, v4, vm0, $0xb8;
	[tilespmem:$0x1CD80] =	vst v63  }
0xea: {  	s28 =	simm.s32 $0x1B180  }
0xeb: {  	[tilespmem:s28], [sflag:$0x2] =	stream.indirect_vreg.gather [hbm4b:s6+s4], $0x80, v4, vm0, $0xb8;
	[tilespmem:$0x1CD80] =	vst v63  }
.Ltmp0:
0xec: {  	s23 =	simm.s32 $0x1B0;
	(pc) =	sbr.rel .LBB2_2-.Ltmp0, $4  }
0xed: {  	s2 =	simm.s32 $0x10980;
	s29 =	simm.s32 $0x1B980;
	s30 =	simm.s32 $0x1C180  }
0xee: {  	[tilespmem:s29], [sflag:$0x2] =	stream.indirect_vreg.gather [hbm4b:s1+s4], $0x80, v3, vm0, $0xb8;
	[tilespmem:$0x1CD80] =	vst v63  }
0xef: {  	s24 =	simm.s32 $0x1;
	s25 =	simm.s32 $0x0;
	s26 =	simm.s32 $0x0  }
0xf0: {  	[tilespmem:s30], [sflag:$0x2] =	stream.indirect_vreg.gather [hbm4b:s6+s4], $0x80, v3, vm0, $0xb8;
	[tilespmem:$0x1CD80] =	vst v63  }
.LBB2_5:
0xf1: {  	s25 =	sadd.s32 $0x3800, s25  }
0xf2: {  	p0 =	sne.s32 s25, $0x26800  }
.Ltmp1:
0xf3: {  	_ = 	snop;
	(pc) =	sbr.rel @!p0 .LBB2_6-.Ltmp1, $2  }
0xf4: {  	_ =	sdelay $0x2  }
0xf5: {  	s26 =	sadd.s32 $0x1, s26;
	s24 =	sadd.s32 $0x2, s24;
	s23 =	sadd.s32 $0xE0, s23  }
.LBB2_2:
0xf6: {  	p0 =	seq.s32 s25, $0x23000  }
.Ltmp2:
0xf7: {  	_ = 	snop;
	(pc) =	sbr.rel @p0 .LBB2_6-.Ltmp2, $4  }
0xf8: {  	_ =	swait.ge [sflag:s20], $0xE000  }
0xf9: {  	s28 =	sadd.s32 s25, s14;
	[sflag:s20] =	ssyncset.done $0x0  }
0xfa: {  	s28 =	sadd.s32 $0x30000, s28;
	[sflag:s20] =	ssyncadd.s32 $0xFFFF2000  }
0xfb: {  	[hbm4b:s28+s4] =	stream.linear.scatter [tilespmem:s16], [sflag:$0x3], $0xE000, $0x38;
	[tilespmem:$0x1CD80] =	vst v63  }
0xfc: {  	_ =	swait.ge [sflag:s21], $0xE000  }
0xfd: {  	[sflag:s21] =	ssyncset.done $0x0  }
0xfe: {  	[sflag:s21] =	ssyncadd.s32 $0xFFFF2000  }
0xff: {  	v3 =	vld [tilespmem:s23+$0xFFFFFF30];
	_ =	sdelay $0x4  }
0x100: {  	v4 =	vshll.u32 v3, $0x2  }
0x101: {  	v3 =	vand.u32 $0x7, v3;
	v4 =	vand.u32 $0xFFFFFFE0, v4  }
0x102: {  	v3 =	vor.u32 v3, v4  }
0x103: {  	v4 =	vperm.xlane v3, v0;
	_ =	sdelay $0x1  }
0x104: {  	v4 =	vadd.s32 v1, v4;
	_ =	sdelay $0x1  }
0x105: {  	v3 =	vperm.xlane v3, v2;
	_ =	sdelay $0x1  }
0x106: {  	v3 =	vadd.s32 v1, v3  }
0x107: {  	[tilespmem:s16], [sflag:$0x1] =	stream.indirect_vreg.gather [hbm4b:s1+s4], $0x80, v4, vm0, $0xb8;
	[tilespmem:$0x1CD80] =	vst v63  }
0x108: {  	s28 =	simm.s32 $0x1180  }
0x109: {  	[tilespmem:s28], [sflag:$0x1] =	stream.indirect_vreg.gather [hbm4b:s6+s4], $0x80, v4, vm0, $0xb8;
	[tilespmem:$0x1CD80] =	vst v63  }
0x10a: {  	s29 =	simm.s32 $0x1980  }
0x10b: {  	[tilespmem:s29], [sflag:$0x1] =	stream.indirect_vreg.gather [hbm4b:s1+s4], $0x80, v3, vm0, $0xb8;
	[tilespmem:$0x1CD80] =	vst v63  }
0x10c: {  	s30 =	simm.s32 $0x2180  }
0x10d: {  	[tilespmem:s30], [sflag:$0x1] =	stream.indirect_vreg.gather [hbm4b:s6+s4], $0x80, v3, vm0, $0xb8;
	[tilespmem:$0x1CD80] =	vst v63  }
0x10e: {  	v3 =	vld [tilespmem:s23+$0xFFFFFF40];
	_ =	sdelay $0x4  }
0x10f: {  	v58 =	vshll.u32 v3, $0x2  }
0x110: {  	v3 =	vand.u32 $0x7, v3;
	v4 =	vand.u32 $0xFFFFFFE0, v58  }
0x111: {  	v3 =	vor.u32 v3, v4  }
0x112: {  	v4 =	vperm.xlane v3, v0;
	_ =	sdelay $0x1  }
0x113: {  	v4 =	vadd.s32 v1, v4;
	_ =	sdelay $0x1  }
0x114: {  	v3 =	vperm.xlane v3, v2;
	_ =	sdelay $0x1  }
0x115: {  	s29 =	simm.s32 $0x2980;
	v3 =	vadd.s32 v1, v3  }
0x116: {  	[tilespmem:s29], [sflag:$0x1] =	stream.indirect_vreg.gather [hbm4b:s1+s4], $0x80, v4, vm0, $0xb8;
	[tilespmem:$0x1CD80] =	vst v63  }
0x117: {  	s30 =	simm.s32 $0x3180  }
0x118: {  	[tilespmem:s30], [sflag:$0x1] =	stream.indirect_vreg.gather [hbm4b:s6+s4], $0x80, v4, vm0, $0xb8;
	[tilespmem:$0x1CD80] =	vst v63  }
0x119: {  	s29 =	simm.s32 $0x3980  }
0x11a: {  	[tilespmem:s29], [sflag:$0x1] =	stream.indirect_vreg.gather [hbm4b:s1+s4], $0x80, v3, vm0, $0xb8;
	[tilespmem:$0x1CD80] =	vst v63  }
0x11b: {  	s30 =	simm.s32 $0x4180  }
0x11c: {  	[tilespmem:s30], [sflag:$0x1] =	stream.indirect_vreg.gather [hbm4b:s6+s4], $0x80, v3, vm0, $0xb8;
	[tilespmem:$0x1CD80] =	vst v63  }
0x11d: {  	v3 =	vld [tilespmem:s23+$0xFFFFFF50];
	_ =	sdelay $0x4  }
0x11e: {  	v59 =	vshll.u32 v3, $0x2  }
0x11f: {  	v3 =	vand.u32 $0x7, v3;
	v4 =	vand.u32 $0xFFFFFFE0, v59  }
0x120: {  	v3 =	vor.u32 v3, v4  }
0x121: {  	v4 =	vperm.xlane v3, v0;
	_ =	sdelay $0x1  }
0x122: {  	v4 =	vadd.s32 v1, v4;
	_ =	sdelay $0x1  }
0x123: {  	v3 =	vperm.xlane v3, v2;
	_ =	sdelay $0x1  }
0x124: {  	s29 =	simm.s32 $0x4980;
	v3 =	vadd.s32 v1, v3  }
0x125: {  	[tilespmem:s29], [sflag:$0x1] =	stream.indirect_vreg.gather [hbm4b:s1+s4], $0x80, v4, vm0, $0xb8;
	[tilespmem:$0x1CD80] =	vst v63  }
0x126: {  	s30 =	simm.s32 $0x5180  }
0x127: {  	[tilespmem:s30], [sflag:$0x1] =	stream.indirect_vreg.gather [hbm4b:s6+s4], $0x80, v4, vm0, $0xb8;
	[tilespmem:$0x1CD80] =	vst v63  }
0x128: {  	s29 =	simm.s32 $0x5980  }
0x129: {  	[tilespmem:s29], [sflag:$0x1] =	stream.indirect_vreg.gather [hbm4b:s1+s4], $0x80, v3, vm0, $0xb8;
	[tilespmem:$0x1CD80] =	vst v63  }
0x12a: {  	s30 =	simm.s32 $0x6180  }
0x12b: {  	[tilespmem:s30], [sflag:$0x1] =	stream.indirect_vreg.gather [hbm4b:s6+s4], $0x80, v3, vm0, $0xb8;
	[tilespmem:$0x1CD80] =	vst v63  }
0x12c: {  	v3 =	vld [tilespmem:s23+$0xFFFFFF60];
	_ =	sdelay $0x4  }
0x12d: {  	v60 =	vshll.u32 v3, $0x2  }
0x12e: {  	v3 =	vand.u32 $0x7, v3;
	v4 =	vand.u32 $0xFFFFFFE0, v60  }
0x12f: {  	v3 =	vor.u32 v3, v4  }
0x130: {  	v4 =	vperm.xlane v3, v0;
	_ =	sdelay $0x1  }
0x131: {  	v4 =	vadd.s32 v1, v4;
	_ =	sdelay $0x1  }
0x132: {  	v3 =	vperm.xlane v3, v2;
	_ =	sdelay $0x1  }
0x133: {  	s29 =	simm.s32 $0x6980;
	v3 =	vadd.s32 v1, v3  }
0x134: {  	[tilespmem:s29], [sflag:$0x1] =	stream.indirect_vreg.gather [hbm4b:s1+s4], $0x80, v4, vm0, $0xb8;
	[tilespmem:$0x1CD80] =	vst v63  }
0x135: {  	s30 =	simm.s32 $0x7180  }
0x136: {  	[tilespmem:s30], [sflag:$0x1] =	stream.indirect_vreg.gather [hbm4b:s6+s4], $0x80, v4, vm0, $0xb8;
	[tilespmem:$0x1CD80] =	vst v63  }
0x137: {  	s29 =	simm.s32 $0x7980  }
0x138: {  	[tilespmem:s29], [sflag:$0x1] =	stream.indirect_vreg.gather [hbm4b:s1+s4], $0x80, v3, vm0, $0xb8;
	[tilespmem:$0x1CD80] =	vst v63  }
0x139: {  	s30 =	simm.s32 $0x8180  }
0x13a: {  	[tilespmem:s30], [sflag:$0x1] =	stream.indirect_vreg.gather [hbm4b:s6+s4], $0x80, v3, vm0, $0xb8;
	[tilespmem:$0x1CD80] =	vst v63  }
0x13b: {  	v3 =	vld [tilespmem:s23+$0xFFFFFF70];
	_ =	sdelay $0x4  }
0x13c: {  	v61 =	vshll.u32 v3, $0x2  }
0x13d: {  	v3 =	vand.u32 $0x7, v3;
	v4 =	vand.u32 $0xFFFFFFE0, v61  }
0x13e: {  	v3 =	vor.u32 v3, v4  }
0x13f: {  	v4 =	vperm.xlane v3, v0;
	_ =	sdelay $0x1  }
0x140: {  	v4 =	vadd.s32 v1, v4;
	_ =	sdelay $0x1  }
0x141: {  	v3 =	vperm.xlane v3, v2;
	_ =	sdelay $0x1  }
0x142: {  	v3 =	vadd.s32 v1, v3  }
0x143: {  	[tilespmem:s0], [sflag:$0x1] =	stream.indirect_vreg.gather [hbm4b:s1+s4], $0x80, v4, vm0, $0xb8;
	[tilespmem:$0x1CD80] =	vst v63  }
0x144: {  	_ = 	snop  }
0x145: {  	[tilespmem:s3], [sflag:$0x1] =	stream.indirect_vreg.gather [hbm4b:s6+s4], $0x80, v4, vm0, $0xb8;
	[tilespmem:$0x1CD80] =	vst v63  }
0x146: {  	_ = 	snop  }
0x147: {  	[tilespmem:s5], [sflag:$0x1] =	stream.indirect_vreg.gather [hbm4b:s1+s4], $0x80, v3, vm0, $0xb8;
	[tilespmem:$0x1CD80] =	vst v63  }
0x148: {  	_ = 	snop  }
0x149: {  	[tilespmem:s7], [sflag:$0x1] =	stream.indirect_vreg.gather [hbm4b:s6+s4], $0x80, v3, vm0, $0xb8;
	[tilespmem:$0x1CD80] =	vst v63  }
0x14a: {  	v3 =	vld [tilespmem:s23+$0xFFFFFF80];
	_ =	sdelay $0x4  }
0x14b: {  	v62 =	vshll.u32 v3, $0x2  }
0x14c: {  	v3 =	vand.u32 $0x7, v3;
	v4 =	vand.u32 $0xFFFFFFE0, v62  }
0x14d: {  	v3 =	vor.u32 v3, v4  }
0x14e: {  	v4 =	vperm.xlane v3, v0;
	_ =	sdelay $0x1  }
0x14f: {  	v4 =	vadd.s32 v1, v4;
	_ =	sdelay $0x1  }
0x150: {  	v3 =	vperm.xlane v3, v2;
	_ =	sdelay $0x1  }
0x151: {  	v3 =	vadd.s32 v1, v3  }
0x152: {  	[tilespmem:s10], [sflag:$0x1] =	stream.indirect_vreg.gather [hbm4b:s1+s4], $0x80, v4, vm0, $0xb8;
	[tilespmem:$0x1CD80] =	vst v63  }
0x153: {  	_ = 	snop  }
0x154: {  	[tilespmem:s11], [sflag:$0x1] =	stream.indirect_vreg.gather [hbm4b:s6+s4], $0x80, v4, vm0, $0xb8;
	[tilespmem:$0x1CD80] =	vst v63  }
0x155: {  	_ = 	snop  }
0x156: {  	[tilespmem:s12], [sflag:$0x1] =	stream.indirect_vreg.gather [hbm4b:s1+s4], $0x80, v3, vm0, $0xb8;
	[tilespmem:$0x1CD80] =	vst v63  }
0x157: {  	_ = 	snop  }
0x158: {  	[tilespmem:s13], [sflag:$0x1] =	stream.indirect_vreg.gather [hbm4b:s6+s4], $0x80, v3, vm0, $0xb8;
	[tilespmem:$0x1CD80] =	vst v63  }
0x159: {  	v3 =	vld [tilespmem:s23+$0xFFFFFF90];
	_ =	sdelay $0x4  }
0x15a: {  	v63 =	vshll.u32 v3, $0x2  }
0x15b: {  	v3 =	vand.u32 $0x7, v3;
	v4 =	vand.u32 $0xFFFFFFE0, v63  }
0x15c: {  	v3 =	vor.u32 v3, v4  }
0x15d: {  	v4 =	vperm.xlane v3, v0;
	_ =	sdelay $0x1  }
0x15e: {  	v4 =	vadd.s32 v1, v4;
	_ =	sdelay $0x1  }
0x15f: {  	v3 =	vperm.xlane v3, v2;
	_ =	sdelay $0x1  }
0x160: {  	v3 =	vadd.s32 v1, v3  }
0x161: {  	[tilespmem:s15], [sflag:$0x1] =	stream.indirect_vreg.gather [hbm4b:s1+s4], $0x80, v4, vm0, $0xb8;
	[tilespmem:$0x1CD80] =	vst v63  }
0x162: {  	_ = 	snop  }
0x163: {  	[tilespmem:s17], [sflag:$0x1] =	stream.indirect_vreg.gather [hbm4b:s6+s4], $0x80, v4, vm0, $0xb8;
	[tilespmem:$0x1CD80] =	vst v63  }
0x164: {  	p0 =	sgt.u32 s24, $0x14  }
0x165: {  	[tilespmem:s18], [sflag:$0x1] =	stream.indirect_vreg.gather [hbm4b:s1+s4], $0x80, v3, vm0, $0xb8;
	[tilespmem:$0x1CD80] =	vst v63  }
0x166: {  	s28 =	simm.s32 @!p0 $0x2  }
0x167: {  	[tilespmem:s19], [sflag:$0x1] =	stream.indirect_vreg.gather [hbm4b:s6+s4], $0x80, v3, vm0, $0xb8;
	[tilespmem:$0x1CD80] =	vst v63  }
0x168: {  	_ =	swait.ge @!p0 [sflag:s28], $0xE000  }
0x169: {  	[sflag:s28] =	ssyncset.done @!p0 $0x0  }
0x16a: {  	p1 =	sgt.u32 @!p0 s26, $0x8;
	[sflag:s28] =	ssyncadd.s32 @!p0 $0xFFFF2000;
	s28 =	sadd.s32 @!p0 s25, s14  }
0x16b: {  	s29 =	simm.s32 @!p0 $0x0;
	s30 =	simm.s32 @!p0 $0xE980;
	s28 =	sadd.s32 @!p0 $0x31C00, s28  }
0x16c: {  	[hbm4b:s28+s29] =	stream.linear.scatter @!p0 [tilespmem:s30], [sflag:$0x4], $0xE000, $0x38;
	[tilespmem:$0x1CD80] =	vst v63  }
0x16d: {  	p0 =	por p0, p1  }
.Ltmp3:
0x16e: {  	_ = 	snop;
	(pc) =	sbr.rel @p0 .LBB2_5-.Ltmp3, $1  }
0x16f: {  	_ =	sdelay $0x3  }
0x170: {  	_ =	swait.ge [sflag:s22], $0xE000  }
0x171: {  	[sflag:s22] =	ssyncset.done $0x0  }
0x172: {  	[sflag:s22] =	ssyncadd.s32 $0xFFFF2000  }
0x173: {  	v3 =	vld [tilespmem:s23+$0xFFFFFFA0];
	_ =	sdelay $0x4  }
0x174: {  	v4 =	vshll.u32 v3, $0x2  }
0x175: {  	v3 =	vand.u32 $0x7, v3;
	v4 =	vand.u32 $0xFFFFFFE0, v4  }
0x176: {  	v3 =	vor.u32 v3, v4  }
0x177: {  	v4 =	vperm.xlane v3, v0;
	_ =	sdelay $0x1  }
0x178: {  	v4 =	vadd.s32 v1, v4;
	_ =	sdelay $0x1  }
0x179: {  	v3 =	vperm.xlane v3, v2;
	_ =	sdelay $0x1  }
0x17a: {  	v3 =	vadd.s32 v1, v3  }
0x17b: {  	[tilespmem:s31], [sflag:$0x2] =	stream.indirect_vreg.gather [hbm4b:s1+s4], $0x80, v4, vm0, $0xb8;
	[tilespmem:$0x1CD80] =	vst v63  }
0x17c: {  	s28 =	simm.s32 $0xF180  }
0x17d: {  	[tilespmem:s28], [sflag:$0x2] =	stream.indirect_vreg.gather [hbm4b:s6+s4], $0x80, v4, vm0, $0xb8;
	[tilespmem:$0x1CD80] =	vst v63  }
0x17e: {  	s30 =	simm.s32 $0xF980  }
0x17f: {  	[tilespmem:s30], [sflag:$0x2] =	stream.indirect_vreg.gather [hbm4b:s1+s4], $0x80, v3, vm0, $0xb8;
	[tilespmem:$0x1CD80] =	vst v63  }
0x180: {  	s29 =	simm.s32 $0x10180  }
0x181: {  	[tilespmem:s29], [sflag:$0x2] =	stream.indirect_vreg.gather [hbm4b:s6+s4], $0x80, v3, vm0, $0xb8;
	[tilespmem:$0x1CD80] =	vst v63  }
0x182: {  	v3 =	vld [tilespmem:s23+$0xFFFFFFB0];
	_ =	sdelay $0x4  }
0x183: {  	v58 =	vshll.u32 v3, $0x2  }
0x184: {  	v3 =	vand.u32 $0x7, v3;
	v4 =	vand.u32 $0xFFFFFFE0, v58  }
0x185: {  	v3 =	vor.u32 v3, v4  }
0x186: {  	v4 =	vperm.xlane v3, v0;
	_ =	sdelay $0x1  }
0x187: {  	v4 =	vadd.s32 v1, v4;
	_ =	sdelay $0x1  }
0x188: {  	v3 =	vperm.xlane v3, v2;
	_ =	sdelay $0x1  }
0x189: {  	v3 =	vadd.s32 v1, v3  }
0x18a: {  	[tilespmem:s2], [sflag:$0x2] =	stream.indirect_vreg.gather [hbm4b:s1+s4], $0x80, v4, vm0, $0xb8;
	[tilespmem:$0x1CD80] =	vst v63  }
0x18b: {  	s30 =	simm.s32 $0x11180  }
0x18c: {  	[tilespmem:s30], [sflag:$0x2] =	stream.indirect_vreg.gather [hbm4b:s6+s4], $0x80, v4, vm0, $0xb8;
	[tilespmem:$0x1CD80] =	vst v63  }
0x18d: {  	s29 =	simm.s32 $0x11980  }
0x18e: {  	[tilespmem:s29], [sflag:$0x2] =	stream.indirect_vreg.gather [hbm4b:s1+s4], $0x80, v3, vm0, $0xb8;
	[tilespmem:$0x1CD80] =	vst v63  }
0x18f: {  	s30 =	simm.s32 $0x12180  }
0x190: {  	[tilespmem:s30], [sflag:$0x2] =	stream.indirect_vreg.gather [hbm4b:s6+s4], $0x80, v3, vm0, $0xb8;
	[tilespmem:$0x1CD80] =	vst v63  }
0x191: {  	v3 =	vld [tilespmem:s23+$0xFFFFFFC0];
	_ =	sdelay $0x4  }
0x192: {  	v59 =	vshll.u32 v3, $0x2  }
0x193: {  	v3 =	vand.u32 $0x7, v3;
	v4 =	vand.u32 $0xFFFFFFE0, v59  }
0x194: {  	v3 =	vor.u32 v3, v4  }
0x195: {  	v4 =	vperm.xlane v3, v0;
	_ =	sdelay $0x1  }
0x196: {  	v4 =	vadd.s32 v1, v4;
	_ =	sdelay $0x1  }
0x197: {  	v3 =	vperm.xlane v3, v2;
	_ =	sdelay $0x1  }
0x198: {  	s29 =	simm.s32 $0x12980;
	v3 =	vadd.s32 v1, v3  }
0x199: {  	[tilespmem:s29], [sflag:$0x2] =	stream.indirect_vreg.gather [hbm4b:s1+s4], $0x80, v4, vm0, $0xb8;
	[tilespmem:$0x1CD80] =	vst v63  }
0x19a: {  	s30 =	simm.s32 $0x13180  }
0x19b: {  	[tilespmem:s30], [sflag:$0x2] =	stream.indirect_vreg.gather [hbm4b:s6+s4], $0x80, v4, vm0, $0xb8;
	[tilespmem:$0x1CD80] =	vst v63  }
0x19c: {  	s29 =	simm.s32 $0x13980  }
0x19d: {  	[tilespmem:s29], [sflag:$0x2] =	stream.indirect_vreg.gather [hbm4b:s1+s4], $0x80, v3, vm0, $0xb8;
	[tilespmem:$0x1CD80] =	vst v63  }
0x19e: {  	s30 =	simm.s32 $0x14180  }
0x19f: {  	[tilespmem:s30], [sflag:$0x2] =	stream.indirect_vreg.gather [hbm4b:s6+s4], $0x80, v3, vm0, $0xb8;
	[tilespmem:$0x1CD80] =	vst v63  }
0x1a0: {  	v3 =	vld [tilespmem:s23+$0xFFFFFFD0];
	_ =	sdelay $0x4  }
0x1a1: {  	v60 =	vshll.u32 v3, $0x2  }
0x1a2: {  	v3 =	vand.u32 $0x7, v3;
	v4 =	vand.u32 $0xFFFFFFE0, v60  }
0x1a3: {  	v3 =	vor.u32 v3, v4  }
0x1a4: {  	v4 =	vperm.xlane v3, v0;
	_ =	sdelay $0x1  }
0x1a5: {  	v4 =	vadd.s32 v1, v4;
	_ =	sdelay $0x1  }
0x1a6: {  	v3 =	vperm.xlane v3, v2;
	_ =	sdelay $0x1  }
0x1a7: {  	s29 =	simm.s32 $0x14980;
	v3 =	vadd.s32 v1, v3  }
0x1a8: {  	[tilespmem:s29], [sflag:$0x2] =	stream.indirect_vreg.gather [hbm4b:s1+s4], $0x80, v4, vm0, $0xb8;
	[tilespmem:$0x1CD80] =	vst v63  }
0x1a9: {  	s30 =	simm.s32 $0x15180  }
0x1aa: {  	[tilespmem:s30], [sflag:$0x2] =	stream.indirect_vreg.gather [hbm4b:s6+s4], $0x80, v4, vm0, $0xb8;
	[tilespmem:$0x1CD80] =	vst v63  }
0x1ab: {  	s29 =	simm.s32 $0x15980  }
0x1ac: {  	[tilespmem:s29], [sflag:$0x2] =	stream.indirect_vreg.gather [hbm4b:s1+s4], $0x80, v3, vm0, $0xb8;
	[tilespmem:$0x1CD80] =	vst v63  }
0x1ad: {  	s30 =	simm.s32 $0x16180  }
0x1ae: {  	[tilespmem:s30], [sflag:$0x2] =	stream.indirect_vreg.gather [hbm4b:s6+s4], $0x80, v3, vm0, $0xb8;
	[tilespmem:$0x1CD80] =	vst v63  }
0x1af: {  	v3 =	vld [tilespmem:s23+$0xFFFFFFE0];
	_ =	sdelay $0x4  }
0x1b0: {  	v61 =	vshll.u32 v3, $0x2  }
0x1b1: {  	v3 =	vand.u32 $0x7, v3;
	v4 =	vand.u32 $0xFFFFFFE0, v61  }
0x1b2: {  	v3 =	vor.u32 v3, v4  }
0x1b3: {  	v4 =	vperm.xlane v3, v0;
	_ =	sdelay $0x1  }
0x1b4: {  	v4 =	vadd.s32 v1, v4;
	_ =	sdelay $0x1  }
0x1b5: {  	v3 =	vperm.xlane v3, v2;
	_ =	sdelay $0x1  }
0x1b6: {  	s29 =	simm.s32 $0x16980;
	v3 =	vadd.s32 v1, v3  }
0x1b7: {  	[tilespmem:s29], [sflag:$0x2] =	stream.indirect_vreg.gather [hbm4b:s1+s4], $0x80, v4, vm0, $0xb8;
	[tilespmem:$0x1CD80] =	vst v63  }
0x1b8: {  	s30 =	simm.s32 $0x17180  }
0x1b9: {  	[tilespmem:s30], [sflag:$0x2] =	stream.indirect_vreg.gather [hbm4b:s6+s4], $0x80, v4, vm0, $0xb8;
	[tilespmem:$0x1CD80] =	vst v63  }
0x1ba: {  	s29 =	simm.s32 $0x17980  }
0x1bb: {  	[tilespmem:s29], [sflag:$0x2] =	stream.indirect_vreg.gather [hbm4b:s1+s4], $0x80, v3, vm0, $0xb8;
	[tilespmem:$0x1CD80] =	vst v63  }
0x1bc: {  	s30 =	simm.s32 $0x18180  }
0x1bd: {  	[tilespmem:s30], [sflag:$0x2] =	stream.indirect_vreg.gather [hbm4b:s6+s4], $0x80, v3, vm0, $0xb8;
	[tilespmem:$0x1CD80] =	vst v63  }
0x1be: {  	v3 =	vld [tilespmem:s23+$0xFFFFFFF0];
	_ =	sdelay $0x4  }
0x1bf: {  	v62 =	vshll.u32 v3, $0x2  }
0x1c0: {  	v3 =	vand.u32 $0x7, v3;
	v4 =	vand.u32 $0xFFFFFFE0, v62  }
0x1c1: {  	v3 =	vor.u32 v3, v4  }
0x1c2: {  	v4 =	vperm.xlane v3, v0;
	_ =	sdelay $0x1  }
0x1c3: {  	v4 =	vadd.s32 v1, v4;
	_ =	sdelay $0x1  }
0x1c4: {  	v3 =	vperm.xlane v3, v2;
	_ =	sdelay $0x1  }
0x1c5: {  	s29 =	simm.s32 $0x18980;
	v3 =	vadd.s32 v1, v3  }
0x1c6: {  	[tilespmem:s29], [sflag:$0x2] =	stream.indirect_vreg.gather [hbm4b:s1+s4], $0x80, v4, vm0, $0xb8;
	[tilespmem:$0x1CD80] =	vst v63  }
0x1c7: {  	s30 =	simm.s32 $0x19180  }
0x1c8: {  	[tilespmem:s30], [sflag:$0x2] =	stream.indirect_vreg.gather [hbm4b:s6+s4], $0x80, v4, vm0, $0xb8;
	[tilespmem:$0x1CD80] =	vst v63  }
0x1c9: {  	s29 =	simm.s32 $0x19980  }
0x1ca: {  	[tilespmem:s29], [sflag:$0x2] =	stream.indirect_vreg.gather [hbm4b:s1+s4], $0x80, v3, vm0, $0xb8;
	[tilespmem:$0x1CD80] =	vst v63  }
0x1cb: {  	s30 =	simm.s32 $0x1A180  }
0x1cc: {  	[tilespmem:s30], [sflag:$0x2] =	stream.indirect_vreg.gather [hbm4b:s6+s4], $0x80, v3, vm0, $0xb8;
	[tilespmem:$0x1CD80] =	vst v63  }
0x1cd: {  	v3 =	vld [tilespmem:s23+$0x0];
	_ =	sdelay $0x4  }
0x1ce: {  	v63 =	vshll.u32 v3, $0x2  }
0x1cf: {  	v3 =	vand.u32 $0x7, v3;
	v4 =	vand.u32 $0xFFFFFFE0, v63  }
0x1d0: {  	v3 =	vor.u32 v3, v4  }
0x1d1: {  	v4 =	vperm.xlane v3, v0;
	_ =	sdelay $0x1  }
0x1d2: {  	v4 =	vadd.s32 v1, v4;
	_ =	sdelay $0x2  }
0x1d3: {  	v3 =	vperm.xlane v3, v2  }
0x1d4: {  	s29 =	simm.s32 $0x1A980  }
0x1d5: {  	v3 =	vadd.s32 v1, v3;
	[tilespmem:s29], [sflag:$0x2] =	stream.indirect_vreg.gather [hbm4b:s1+s4], $0x80, v4, vm0, $0xb8;
	[tilespmem:$0x1CD80] =	vst v63  }
0x1d6: {  	s30 =	simm.s32 $0x1B180  }
0x1d7: {  	[tilespmem:s30], [sflag:$0x2] =	stream.indirect_vreg.gather [hbm4b:s6+s4], $0x80, v4, vm0, $0xb8;
	[tilespmem:$0x1CD80] =	vst v63  }
.Ltmp4:
0x1d8: {  	_ = 	snop;
	(pc) =	sbr.rel .LBB2_5-.Ltmp4, $4  }
0x1d9: {  	s29 =	simm.s32 $0x1B980  }
0x1da: {  	[tilespmem:s29], [sflag:$0x2] =	stream.indirect_vreg.gather [hbm4b:s1+s4], $0x80, v3, vm0, $0xb8;
	[tilespmem:$0x1CD80] =	vst v63  }
0x1db: {  	s30 =	simm.s32 $0x1C180  }
0x1dc: {  	[tilespmem:s30], [sflag:$0x2] =	stream.indirect_vreg.gather [hbm4b:s6+s4], $0x80, v3, vm0, $0xb8;
	[tilespmem:$0x1CD80] =	vst v63  }
.LBB2_6:
0x1dd: {  	_ =	swait.ge [sflag:s21], $0xE000  }
0x1de: {  	[sflag:s21] =	ssyncset.done $0x0  }
0x1df: {  	[sflag:s21] =	ssyncadd.s32 $0xFFFF2000  }
0x1e0: {  	_ =	swait.ge [sflag:s22], $0xE000  }
0x1e1: {  	s23 =	simm.s32 $0x0;
	s25 =	simm.s32 $0x940;
	[sflag:s22] =	ssyncset.done $0x0  }
0x1e2: {  	s29 =	simm.s32 $0x5;
	s24 =	rddreg [dreg:$0x6];
	[sflag:s22] =	ssyncadd.s32 $0xFFFF2000  }
0x1e3: {  	[tilespmem:s25], [sflag:$0x5] =	stream.linear.gather [hbm4b:s24+s23], $0x20, $0x38;
	[tilespmem:$0x1CD80] =	vst v63  }
0x1e4: {  	_ =	swait.ge [sflag:s29], $0x20  }
0x1e5: {  	[sflag:s29] =	ssyncset.done $0x0  }
0x1e6: {  	[sflag:s29] =	ssyncadd.s32 $0xFFFFFFE0  }
0x1e7: {  	s30 =	simm.s32 $0x1C980;
	s28 =	rddreg [dreg:$0x2]  }
0x1e8: {  	[tilespmem:s30], [sflag:$0x5] =	stream.linear.gather [hbm4b:s28+s23], $0x400, $0x38;
	[tilespmem:$0x1CD80] =	vst v63  }
0x1e9: {  	_ =	swait.ge [sflag:s29], $0x400  }
0x1ea: {  	[sflag:s29] =	ssyncset.done $0x0  }
0x1eb: {  	[sflag:s29] =	ssyncadd.s32 $0xFFFFFC00  }
0x1ec: {  	v3 =	vld [tilespmem:$0x930];
	_ =	sdelay $0x4  }
0x1ed: {  	v4 =	vshll.u32 v3, $0x2  }
0x1ee: {  	v3 =	vand.u32 $0x7, v3;
	v4 =	vand.u32 $0xFFFFFFE0, v4  }
0x1ef: {  	v3 =	vor.u32 v3, v4  }
0x1f0: {  	v4 =	vperm.xlane v3, v0;
	_ =	sdelay $0x1  }
0x1f1: {  	v4 =	vadd.s32 v1, v4;
	_ =	sdelay $0x1  }
0x1f2: {  	v3 =	vperm.xlane v3, v2;
	_ =	sdelay $0x1  }
0x1f3: {  	v3 =	vadd.s32 v1, v3  }
0x1f4: {  	[tilespmem:s31], [sflag:$0x2] =	stream.indirect_vreg.gather [hbm4b:s1+s23], $0x80, v4, vm0, $0xb8;
	[tilespmem:$0x1CD80] =	vst v63  }
0x1f5: {  	s26 =	simm.s32 $0xF180  }
0x1f6: {  	[tilespmem:s26], [sflag:$0x2] =	stream.indirect_vreg.gather [hbm4b:s6+s23], $0x80, v4, vm0, $0xb8;
	[tilespmem:$0x1CD80] =	vst v63  }
0x1f7: {  	s28 =	simm.s32 $0xF980  }
0x1f8: {  	[tilespmem:s28], [sflag:$0x2] =	stream.indirect_vreg.gather [hbm4b:s1+s23], $0x80, v3, vm0, $0xb8;
	[tilespmem:$0x1CD80] =	vst v63  }
0x1f9: {  	s30 =	simm.s32 $0x10180  }
0x1fa: {  	[tilespmem:s30], [sflag:$0x2] =	stream.indirect_vreg.gather [hbm4b:s6+s23], $0x80, v3, vm0, $0xb8;
	[tilespmem:$0x1CD80] =	vst v63  }
0x1fb: {  	v3 =	vld [tilespmem:$0x940];
	_ =	sdelay $0x4  }
0x1fc: {  	v4 =	vshll.u32 v3, $0x2  }
0x1fd: {  	v3 =	vand.u32 $0x7, v3;
	v4 =	vand.u32 $0xFFFFFFE0, v4  }
0x1fe: {  	v3 =	vor.u32 v3, v4  }
0x1ff: {  	v4 =	vperm.xlane v3, v0;
	_ =	sdelay $0x1  }
0x200: {  	v4 =	vadd.s32 v1, v4;
	_ =	sdelay $0x1  }
0x201: {  	v3 =	vperm.xlane v3, v2;
	_ =	sdelay $0x1  }
0x202: {  	v3 =	vadd.s32 v1, v3  }
0x203: {  	[tilespmem:s2], [sflag:$0x2] =	stream.indirect_vreg.gather [hbm4b:s1+s23], $0x80, v4, vm0, $0xb8;
	[tilespmem:$0x1CD80] =	vst v63  }
0x204: {  	s25 =	simm.s32 $0x11180  }
0x205: {  	[tilespmem:s25], [sflag:$0x2] =	stream.indirect_vreg.gather [hbm4b:s6+s23], $0x80, v4, vm0, $0xb8;
	[tilespmem:$0x1CD80] =	vst v63  }
0x206: {  	s26 =	simm.s32 $0x11980  }
0x207: {  	[tilespmem:s26], [sflag:$0x2] =	stream.indirect_vreg.gather [hbm4b:s1+s23], $0x80, v3, vm0, $0xb8;
	[tilespmem:$0x1CD80] =	vst v63  }
0x208: {  	s28 =	simm.s32 $0x12180  }
0x209: {  	[tilespmem:s28], [sflag:$0x2] =	stream.indirect_vreg.gather [hbm4b:s6+s23], $0x80, v3, vm0, $0xb8;
	[tilespmem:$0x1CD80] =	vst v63  }
0x20a: {  	v3 =	vld [tilespmem:$0x950];
	_ =	sdelay $0x4  }
0x20b: {  	v4 =	vshll.u32 v3, $0x2  }
0x20c: {  	v3 =	vand.u32 $0x7, v3;
	v4 =	vand.u32 $0xFFFFFFE0, v4  }
0x20d: {  	v3 =	vor.u32 v3, v4  }
0x20e: {  	v4 =	vperm.xlane v3, v0;
	_ =	sdelay $0x1  }
0x20f: {  	v4 =	vadd.s32 v1, v4;
	_ =	sdelay $0x1  }
0x210: {  	v3 =	vperm.xlane v3, v2;
	_ =	sdelay $0x1  }
0x211: {  	s30 =	simm.s32 $0x12980;
	v3 =	vadd.s32 v1, v3  }
0x212: {  	[tilespmem:s30], [sflag:$0x2] =	stream.indirect_vreg.gather [hbm4b:s1+s23], $0x80, v4, vm0, $0xb8;
	[tilespmem:$0x1CD80] =	vst v63  }
0x213: {  	s24 =	simm.s32 $0x13180  }
0x214: {  	[tilespmem:s24], [sflag:$0x2] =	stream.indirect_vreg.gather [hbm4b:s6+s23], $0x80, v4, vm0, $0xb8;
	[tilespmem:$0x1CD80] =	vst v63  }
0x215: {  	s25 =	simm.s32 $0x13980  }
0x216: {  	[tilespmem:s25], [sflag:$0x2] =	stream.indirect_vreg.gather [hbm4b:s1+s23], $0x80, v3, vm0, $0xb8;
	[tilespmem:$0x1CD80] =	vst v63  }
0x217: {  	s26 =	simm.s32 $0x14180  }
0x218: {  	[tilespmem:s26], [sflag:$0x2] =	stream.indirect_vreg.gather [hbm4b:s6+s23], $0x80, v3, vm0, $0xb8;
	[tilespmem:$0x1CD80] =	vst v63  }
0x219: {  	v3 =	vld [tilespmem:s8+$0x1C980];
	_ =	sdelay $0x2  }
0x21a: {  	s28 =	sand.u32 $0x7000, s23;
	s30 =	sand.u32 $0x380, s23  }
0x21b: {  	s24 =	sor.u32 s30, s28  }
0x21c: {  	[tilespmem:s24+$0x980] =	vst v3  }
0x21d: {  	v3 =	vld [tilespmem:s8+$0x1C990];
	_ =	sdelay $0x4  }
0x21e: {  	[tilespmem:s24+$0x990] =	vst v3  }
0x21f: {  	v3 =	vld [tilespmem:s8+$0x1C9A0];
	_ =	sdelay $0x4  }
0x220: {  	[tilespmem:s24+$0x9A0] =	vst v3  }
0x221: {  	v3 =	vld [tilespmem:s8+$0x1C9B0];
	_ =	sdelay $0x4  }
0x222: {  	[tilespmem:s24+$0x9B0] =	vst v3  }
0x223: {  	v3 =	vld [tilespmem:s8+$0x1C9C0];
	_ =	sdelay $0x4  }
0x224: {  	[tilespmem:s24+$0x9C0] =	vst v3  }
0x225: {  	v3 =	vld [tilespmem:s8+$0x1C9D0];
	_ =	sdelay $0x4  }
0x226: {  	[tilespmem:s24+$0x9D0] =	vst v3  }
0x227: {  	v3 =	vld [tilespmem:s8+$0x1C9E0];
	_ =	sdelay $0x4  }
0x228: {  	[tilespmem:s24+$0x9E0] =	vst v3  }
0x229: {  	v3 =	vld [tilespmem:s8+$0x1C9F0];
	_ =	sdelay $0x4  }
0x22a: {  	[tilespmem:s24+$0x9F0] =	vst v3  }
0x22b: {  	v3 =	vld [tilespmem:s8+$0x1CA80];
	_ =	sdelay $0x4  }
0x22c: {  	[tilespmem:s24+$0xD80] =	vst v3  }
0x22d: {  	v3 =	vld [tilespmem:s8+$0x1CA90];
	_ =	sdelay $0x4  }
0x22e: {  	[tilespmem:s24+$0xD90] =	vst v3  }
0x22f: {  	v3 =	vld [tilespmem:s8+$0x1CAA0];
	_ =	sdelay $0x4  }
0x230: {  	[tilespmem:s24+$0xDA0] =	vst v3  }
0x231: {  	v3 =	vld [tilespmem:s8+$0x1CAB0];
	_ =	sdelay $0x4  }
0x232: {  	[tilespmem:s24+$0xDB0] =	vst v3  }
0x233: {  	v3 =	vld [tilespmem:s8+$0x1CAC0];
	_ =	sdelay $0x4  }
0x234: {  	[tilespmem:s24+$0xDC0] =	vst v3  }
0x235: {  	v3 =	vld [tilespmem:s8+$0x1CAD0];
	_ =	sdelay $0x4  }
0x236: {  	[tilespmem:s24+$0xDD0] =	vst v3  }
0x237: {  	v3 =	vld [tilespmem:s8+$0x1CAE0];
	_ =	sdelay $0x4  }
0x238: {  	[tilespmem:s24+$0xDE0] =	vst v3  }
0x239: {  	v3 =	vld [tilespmem:s8+$0x1CAF0];
	_ =	sdelay $0x4  }
0x23a: {  	[tilespmem:s24+$0xDF0] =	vst v3  }
0x23b: {  	v3 =	vld [tilespmem:s8+$0x1CB80];
	_ =	sdelay $0x4  }
0x23c: {  	[tilespmem:s24+$0x1180] =	vst v3  }
0x23d: {  	v3 =	vld [tilespmem:s8+$0x1CB90];
	_ =	sdelay $0x4  }
0x23e: {  	[tilespmem:s24+$0x1190] =	vst v3  }
0x23f: {  	v3 =	vld [tilespmem:s8+$0x1CBA0];
	_ =	sdelay $0x4  }
0x240: {  	[tilespmem:s24+$0x11A0] =	vst v3  }
0x241: {  	v3 =	vld [tilespmem:s8+$0x1CBB0];
	_ =	sdelay $0x4  }
0x242: {  	[tilespmem:s24+$0x11B0] =	vst v3  }
0x243: {  	v3 =	vld [tilespmem:s8+$0x1CBC0];
	_ =	sdelay $0x4  }
0x244: {  	[tilespmem:s24+$0x11C0] =	vst v3  }
0x245: {  	v3 =	vld [tilespmem:s8+$0x1CBD0];
	_ =	sdelay $0x4  }
0x246: {  	[tilespmem:s24+$0x11D0] =	vst v3  }
0x247: {  	v3 =	vld [tilespmem:s8+$0x1CBE0];
	_ =	sdelay $0x4  }
0x248: {  	[tilespmem:s24+$0x11E0] =	vst v3  }
0x249: {  	v3 =	vld [tilespmem:s8+$0x1CBF0];
	_ =	sdelay $0x4  }
0x24a: {  	[tilespmem:s24+$0x11F0] =	vst v3  }
0x24b: {  	v3 =	vld [tilespmem:s8+$0x1CC80];
	_ =	sdelay $0x4  }
0x24c: {  	[tilespmem:s24+$0x1580] =	vst v3  }
0x24d: {  	v3 =	vld [tilespmem:s8+$0x1CC90];
	_ =	sdelay $0x4  }
0x24e: {  	[tilespmem:s24+$0x1590] =	vst v3  }
0x24f: {  	v3 =	vld [tilespmem:s8+$0x1CCA0];
	_ =	sdelay $0x4  }
0x250: {  	[tilespmem:s24+$0x15A0] =	vst v3  }
0x251: {  	v3 =	vld [tilespmem:s8+$0x1CCB0];
	_ =	sdelay $0x4  }
0x252: {  	[tilespmem:s24+$0x15B0] =	vst v3  }
0x253: {  	v3 =	vld [tilespmem:s8+$0x1CCC0];
	_ =	sdelay $0x4  }
0x254: {  	[tilespmem:s24+$0x15C0] =	vst v3  }
0x255: {  	v3 =	vld [tilespmem:s8+$0x1CCD0];
	_ =	sdelay $0x4  }
0x256: {  	[tilespmem:s24+$0x15D0] =	vst v3  }
0x257: {  	v3 =	vld [tilespmem:s8+$0x1CCE0];
	_ =	sdelay $0x4  }
0x258: {  	[tilespmem:s24+$0x15E0] =	vst v3  }
0x259: {  	v3 =	vld [tilespmem:s9+$0x1C980];
	_ =	sdelay $0x4  }
0x25a: {  	[tilespmem:s24+$0x15F0] =	vst v3  }
0x25b: {  	s25 =	simm.s32 $0x400;
	s24 =	simm.s32 $0x200;
	v3 =	vld [tilespmem:s8+$0x1C980]  }
.LBB2_7:
0x25c: {  	p0 =	sne.s32 s25, $0x7E00  }
0x25d: {  	s23 =	sadd.s32 $0x80, s23  }
0x25e: {  	s26 =	sand.u32 $0x7000, s24;
	s24 =	smov.u32 s25;
	s28 =	sand.u32 $0x380, s23  }
0x25f: {  	s26 =	sor.u32 s28, s26  }
0x260: {  	[tilespmem:s26+$0x980] =	vst v3  }
0x261: {  	v3 =	vld [tilespmem:s8+$0x1C990];
	_ =	sdelay $0x4  }
0x262: {  	[tilespmem:s26+$0x990] =	vst v3  }
0x263: {  	v3 =	vld [tilespmem:s8+$0x1C9A0];
	_ =	sdelay $0x4  }
0x264: {  	[tilespmem:s26+$0x9A0] =	vst v3  }
0x265: {  	v3 =	vld [tilespmem:s8+$0x1C9B0];
	_ =	sdelay $0x4  }
0x266: {  	[tilespmem:s26+$0x9B0] =	vst v3  }
0x267: {  	v3 =	vld [tilespmem:s8+$0x1C9C0];
	_ =	sdelay $0x4  }
0x268: {  	[tilespmem:s26+$0x9C0] =	vst v3  }
0x269: {  	v3 =	vld [tilespmem:s8+$0x1C9D0];
	_ =	sdelay $0x4  }
0x26a: {  	[tilespmem:s26+$0x9D0] =	vst v3  }
0x26b: {  	v3 =	vld [tilespmem:s8+$0x1C9E0];
	_ =	sdelay $0x4  }
0x26c: {  	[tilespmem:s26+$0x9E0] =	vst v3  }
0x26d: {  	v3 =	vld [tilespmem:s8+$0x1C9F0];
	_ =	sdelay $0x4  }
0x26e: {  	[tilespmem:s26+$0x9F0] =	vst v3  }
0x26f: {  	v3 =	vld [tilespmem:s8+$0x1CA80];
	_ =	sdelay $0x4  }
0x270: {  	[tilespmem:s26+$0xD80] =	vst v3  }
0x271: {  	v3 =	vld [tilespmem:s8+$0x1CA90];
	_ =	sdelay $0x4  }
0x272: {  	[tilespmem:s26+$0xD90] =	vst v3  }
0x273: {  	v3 =	vld [tilespmem:s8+$0x1CAA0];
	_ =	sdelay $0x4  }
0x274: {  	[tilespmem:s26+$0xDA0] =	vst v3  }
0x275: {  	v3 =	vld [tilespmem:s8+$0x1CAB0];
	_ =	sdelay $0x4  }
0x276: {  	[tilespmem:s26+$0xDB0] =	vst v3  }
0x277: {  	v3 =	vld [tilespmem:s8+$0x1CAC0];
	_ =	sdelay $0x4  }
0x278: {  	[tilespmem:s26+$0xDC0] =	vst v3  }
0x279: {  	v3 =	vld [tilespmem:s8+$0x1CAD0];
	_ =	sdelay $0x4  }
0x27a: {  	[tilespmem:s26+$0xDD0] =	vst v3  }
0x27b: {  	v3 =	vld [tilespmem:s8+$0x1CAE0];
	_ =	sdelay $0x4  }
0x27c: {  	[tilespmem:s26+$0xDE0] =	vst v3  }
0x27d: {  	v3 =	vld [tilespmem:s8+$0x1CAF0];
	_ =	sdelay $0x4  }
0x27e: {  	[tilespmem:s26+$0xDF0] =	vst v3  }
0x27f: {  	v3 =	vld [tilespmem:s8+$0x1CB80];
	_ =	sdelay $0x4  }
0x280: {  	[tilespmem:s26+$0x1180] =	vst v3  }
0x281: {  	v3 =	vld [tilespmem:s8+$0x1CB90];
	_ =	sdelay $0x4  }
0x282: {  	[tilespmem:s26+$0x1190] =	vst v3  }
0x283: {  	v3 =	vld [tilespmem:s8+$0x1CBA0];
	_ =	sdelay $0x4  }
0x284: {  	[tilespmem:s26+$0x11A0] =	vst v3  }
0x285: {  	v3 =	vld [tilespmem:s8+$0x1CBB0];
	_ =	sdelay $0x4  }
0x286: {  	[tilespmem:s26+$0x11B0] =	vst v3  }
0x287: {  	v3 =	vld [tilespmem:s8+$0x1CBC0];
	_ =	sdelay $0x4  }
0x288: {  	[tilespmem:s26+$0x11C0] =	vst v3  }
0x289: {  	v3 =	vld [tilespmem:s8+$0x1CBD0];
	_ =	sdelay $0x4  }
0x28a: {  	[tilespmem:s26+$0x11D0] =	vst v3  }
0x28b: {  	v3 =	vld [tilespmem:s8+$0x1CBE0];
	_ =	sdelay $0x4  }
0x28c: {  	[tilespmem:s26+$0x11E0] =	vst v3  }
0x28d: {  	v3 =	vld [tilespmem:s8+$0x1CBF0];
	_ =	sdelay $0x4  }
0x28e: {  	[tilespmem:s26+$0x11F0] =	vst v3  }
0x28f: {  	v3 =	vld [tilespmem:s8+$0x1CC80];
	_ =	sdelay $0x4  }
0x290: {  	[tilespmem:s26+$0x1580] =	vst v3  }
0x291: {  	v3 =	vld [tilespmem:s8+$0x1CC90];
	_ =	sdelay $0x4  }
0x292: {  	[tilespmem:s26+$0x1590] =	vst v3  }
0x293: {  	v3 =	vld [tilespmem:s8+$0x1CCA0];
	_ =	sdelay $0x4  }
0x294: {  	[tilespmem:s26+$0x15A0] =	vst v3  }
0x295: {  	v3 =	vld [tilespmem:s8+$0x1CCB0];
	_ =	sdelay $0x4  }
0x296: {  	[tilespmem:s26+$0x15B0] =	vst v3  }
0x297: {  	v3 =	vld [tilespmem:s8+$0x1CCC0];
	_ =	sdelay $0x4  }
0x298: {  	[tilespmem:s26+$0x15C0] =	vst v3  }
0x299: {  	v3 =	vld [tilespmem:s8+$0x1CCD0];
	_ =	sdelay $0x4  }
0x29a: {  	[tilespmem:s26+$0x15D0] =	vst v3  }
0x29b: {  	v3 =	vld [tilespmem:s8+$0x1CCE0];
	_ =	sdelay $0x4  }
0x29c: {  	[tilespmem:s26+$0x15E0] =	vst v3  }
0x29d: {  	v3 =	vld [tilespmem:s9+$0x1C980];
	_ =	sdelay $0x1  }
.Ltmp5:
0x29e: {  	(pc) =	sbr.rel @p0 .LBB2_7-.Ltmp5, $3  }
0x29f: {  	_ =	sdelay $0x1  }
0x2a0: {  	[tilespmem:s26+$0x15F0] =	vst v3  }
0x2a1: {  	s25 =	sadd.s32 $0x200, s25;
	v3 =	vld [tilespmem:s8+$0x1C980]  }
0x2a2: {  	_ = 	snop  }
0x2a3: {  	s23 =	sadd.s32 $0x80, s23  }
0x2a4: {  	s24 =	sand.u32 $0x7000, s24;
	s23 =	sand.u32 $0x380, s23  }
0x2a5: {  	s23 =	sor.u32 s23, s24  }
0x2a6: {  	[tilespmem:s23+$0x980] =	vst v3  }
0x2a7: {  	v3 =	vld [tilespmem:s8+$0x1C990];
	_ =	sdelay $0x4  }
0x2a8: {  	[tilespmem:s23+$0x990] =	vst v3  }
0x2a9: {  	v3 =	vld [tilespmem:s8+$0x1C9A0];
	_ =	sdelay $0x4  }
0x2aa: {  	[tilespmem:s23+$0x9A0] =	vst v3  }
0x2ab: {  	v3 =	vld [tilespmem:s8+$0x1C9B0];
	_ =	sdelay $0x4  }
0x2ac: {  	[tilespmem:s23+$0x9B0] =	vst v3  }
0x2ad: {  	v3 =	vld [tilespmem:s8+$0x1C9C0];
	_ =	sdelay $0x4  }
0x2ae: {  	[tilespmem:s23+$0x9C0] =	vst v3  }
0x2af: {  	v3 =	vld [tilespmem:s8+$0x1C9D0];
	_ =	sdelay $0x4  }
0x2b0: {  	[tilespmem:s23+$0x9D0] =	vst v3  }
0x2b1: {  	v3 =	vld [tilespmem:s8+$0x1C9E0];
	_ =	sdelay $0x4  }
0x2b2: {  	[tilespmem:s23+$0x9E0] =	vst v3  }
0x2b3: {  	v3 =	vld [tilespmem:s8+$0x1C9F0];
	_ =	sdelay $0x4  }
0x2b4: {  	[tilespmem:s23+$0x9F0] =	vst v3  }
0x2b5: {  	v3 =	vld [tilespmem:s8+$0x1CA80];
	_ =	sdelay $0x4  }
0x2b6: {  	[tilespmem:s23+$0xD80] =	vst v3  }
0x2b7: {  	v3 =	vld [tilespmem:s8+$0x1CA90];
	_ =	sdelay $0x4  }
0x2b8: {  	[tilespmem:s23+$0xD90] =	vst v3  }
0x2b9: {  	v3 =	vld [tilespmem:s8+$0x1CAA0];
	_ =	sdelay $0x4  }
0x2ba: {  	[tilespmem:s23+$0xDA0] =	vst v3  }
0x2bb: {  	v3 =	vld [tilespmem:s8+$0x1CAB0];
	_ =	sdelay $0x4  }
0x2bc: {  	[tilespmem:s23+$0xDB0] =	vst v3  }
0x2bd: {  	v3 =	vld [tilespmem:s8+$0x1CAC0];
	_ =	sdelay $0x4  }
0x2be: {  	[tilespmem:s23+$0xDC0] =	vst v3  }
0x2bf: {  	v3 =	vld [tilespmem:s8+$0x1CAD0];
	_ =	sdelay $0x4  }
0x2c0: {  	[tilespmem:s23+$0xDD0] =	vst v3  }
0x2c1: {  	v3 =	vld [tilespmem:s8+$0x1CAE0];
	_ =	sdelay $0x4  }
0x2c2: {  	[tilespmem:s23+$0xDE0] =	vst v3  }
0x2c3: {  	v3 =	vld [tilespmem:s8+$0x1CAF0];
	_ =	sdelay $0x4  }
0x2c4: {  	[tilespmem:s23+$0xDF0] =	vst v3  }
0x2c5: {  	v3 =	vld [tilespmem:s8+$0x1CB80];
	_ =	sdelay $0x4  }
0x2c6: {  	[tilespmem:s23+$0x1180] =	vst v3  }
0x2c7: {  	v3 =	vld [tilespmem:s8+$0x1CB90];
	_ =	sdelay $0x4  }
0x2c8: {  	[tilespmem:s23+$0x1190] =	vst v3  }
0x2c9: {  	v3 =	vld [tilespmem:s8+$0x1CBA0];
	_ =	sdelay $0x4  }
0x2ca: {  	[tilespmem:s23+$0x11A0] =	vst v3  }
0x2cb: {  	v3 =	vld [tilespmem:s8+$0x1CBB0];
	_ =	sdelay $0x4  }
0x2cc: {  	[tilespmem:s23+$0x11B0] =	vst v3  }
0x2cd: {  	v3 =	vld [tilespmem:s8+$0x1CBC0];
	_ =	sdelay $0x4  }
0x2ce: {  	[tilespmem:s23+$0x11C0] =	vst v3  }
0x2cf: {  	v3 =	vld [tilespmem:s8+$0x1CBD0];
	_ =	sdelay $0x4  }
0x2d0: {  	[tilespmem:s23+$0x11D0] =	vst v3  }
0x2d1: {  	v3 =	vld [tilespmem:s8+$0x1CBE0];
	_ =	sdelay $0x4  }
0x2d2: {  	[tilespmem:s23+$0x11E0] =	vst v3  }
0x2d3: {  	v3 =	vld [tilespmem:s8+$0x1CBF0];
	_ =	sdelay $0x4  }
0x2d4: {  	[tilespmem:s23+$0x11F0] =	vst v3  }
0x2d5: {  	v3 =	vld [tilespmem:s8+$0x1CC80];
	_ =	sdelay $0x4  }
0x2d6: {  	[tilespmem:s23+$0x1580] =	vst v3  }
0x2d7: {  	v3 =	vld [tilespmem:s8+$0x1CC90];
	_ =	sdelay $0x4  }
0x2d8: {  	[tilespmem:s23+$0x1590] =	vst v3  }
0x2d9: {  	v3 =	vld [tilespmem:s8+$0x1CCA0];
	_ =	sdelay $0x4  }
0x2da: {  	[tilespmem:s23+$0x15A0] =	vst v3  }
0x2db: {  	v3 =	vld [tilespmem:s8+$0x1CCB0];
	_ =	sdelay $0x4  }
0x2dc: {  	[tilespmem:s23+$0x15B0] =	vst v3  }
0x2dd: {  	v3 =	vld [tilespmem:s8+$0x1CCC0];
	_ =	sdelay $0x4  }
0x2de: {  	[tilespmem:s23+$0x15C0] =	vst v3  }
0x2df: {  	v3 =	vld [tilespmem:s8+$0x1CCD0];
	_ =	sdelay $0x4  }
0x2e0: {  	[tilespmem:s23+$0x15D0] =	vst v3  }
0x2e1: {  	v3 =	vld [tilespmem:s8+$0x1CCE0];
	_ =	sdelay $0x4  }
0x2e2: {  	[tilespmem:s23+$0x15E0] =	vst v3  }
0x2e3: {  	v3 =	vld [tilespmem:s9+$0x1C980];
	_ =	sdelay $0x4  }
0x2e4: {  	s2 =	simm.s32 $0x2;
	s24 =	rddreg [dreg:$0x7];
	[tilespmem:s23+$0x15F0] =	vst v3  }
0x2e5: {  	[hbm4b:s24+s4] =	stream.linear.scatter [tilespmem:s16], [sflag:$0x3], $0x8000, $0x38;
	[tilespmem:$0x1CD80] =	vst v63  }
0x2e6: {  	_ =	swait.ge [sflag:s2], $0x6000  }
0x2e7: {  	[sflag:s2] =	ssyncset.done $0x0  }
0x2e8: {  	s24 =	simm.s32 $0xE980;
	s25 =	rddreg [dreg:$0x8];
	[sflag:s2] =	ssyncadd.s32 $0xFFFFA000  }
0x2e9: {  	[hbm4b:s25+s4] =	stream.linear.scatter [tilespmem:s24], [sflag:$0x4], $0x2000, $0x38;
	[tilespmem:$0x1CD80] =	vst v63  }
0x2ea: {  	s26 =	rddreg [dreg:$0x9];
	s25 =	simm.s32 $0x10980  }
0x2eb: {  	[hbm4b:s26+s4] =	stream.linear.scatter [tilespmem:s25], [sflag:$0x4], $0x4000, $0x38;
	[tilespmem:$0x1CD80] =	vst v63  }
0x2ec: {  	_ =	swait.ge [sflag:s21], $0x8000  }
0x2ed: {  	[sflag:s21] =	ssyncset.done $0x0  }
0x2ee: {  	[sflag:s21] =	ssyncadd.s32 $0xFFFF8000  }
0x2ef: {  	_ =	swait.ge [sflag:s22], $0x2000  }
0x2f0: {  	[sflag:s22] =	ssyncset.done $0x0  }
0x2f1: {  	[sflag:s22] =	ssyncadd.s32 $0xFFFFE000  }
0x2f2: {  	_ =	swait.ge [sflag:s22], $0x4000  }
0x2f3: {  	s28 =	rddreg [dreg:$0xb]  }
0x2f4: {  	s30 =	rddreg [dreg:$0xa];
	s2 =	sadd.s32 $0x1, s28  }
0x2f5: {  	p0 =	sne.s32 s2, s30  }
.Ltmp6:
0x2f6: {  	_ = 	snop;
	(pc) =	sbr.rel @p0 .LBB2_1-.Ltmp6, $3  }
0x2f7: {  	_ =	sdelay $0x1  }
0x2f8: {  	[sflag:s22] =	ssyncset.done $0x0  }
0x2f9: {  	[sflag:s22] =	ssyncadd.s32 $0xFFFFC000  }
0x2fa: {  	_ =	sfence.sel $0x180000  }
0x2fb: {  	[bflag:$0x0] =	sbarrier.arrive $0xFFFF  }
0x2fc: {  	_ =	strace $0x90000047  }
0x2fd: {  	s0 =	stileid.u32;
	[bflag:$0x2] =	sbarrier.arrive $0xFFFF  }
0x2fe: {  	p0 =	sne.s32 s0, $0x0;
	s0 =	rddreg [dreg:$0x4]  }
0x2ff: {  	s0 =	sadd.s32 @!p0 $0x100000, s0  }
0x300: {  	[sflag:s0] =	ssyncadd.tile.s32 @!p0 $0x1;
	_ =	shalt  }
.Lfunc_end2:
_tile_overlayer_lowered:
.L_overlay_start_2:
0x301: {  	(tag) =	ssettag $0x2  }
0x302: {  	s0 =	rddreg [dreg:$0x0];
	s2 =	stileid.u32  }
0x303: {  	s1 =	rddreg [dreg:$0x1];
	p0 =	sne.s32 s2, $0x0  }
0x304: {  	s3 =	rddreg [dreg:$0x2];
	[bflag:$0x3] =	sbarrier.arrive $0xFFFF;
	s2 =	simm.s32 @!p0 $0x1C05  }
0x305: {  	[timem:s3], [sflag:s2] =	dma.local @!p0 [hbm:s0], s1  }
0x306: {  	s0 =	simm.s32 @!p0 $0x5  }
0x307: {  	_ =	swait.ge @!p0 [sflag:s0], s1  }
0x308: {  	s1 =	ssub.s32 @!p0 $0x0, s1;
	[sflag:s0] =	ssyncset.done @!p0 $0x0  }
0x309: {  	[sflag:s0] =	ssyncadd.s32 @!p0 s1  }
0x30a: {  	[bflag:$0x3] =	sbarrier.arrive $0xFFFF  }
0x30b: {  	_ =	shalt  }

</sc_bundles>
